<compile_context>
chip_gen: v7x
topology: tpu7x:2x2x1
jax: 0.10.2.dev20260603
libtpu: 0.0.44.dev20260713+nightly
codegen_flags: <defaults>
</compile_context>

<pallas_src>
import functools

import jax
import jax.numpy as jnp
from jax import lax
from jax.experimental import pallas as pl
from jax.experimental.pallas import tpu as pltpu
from jax.experimental.pallas import tpu_sc as plsc

B = 16384
V = 100000
F = 128


_MV_SUB = 3072
_MV_NSTREAM = 3
_MV_BLK = _MV_SUB * _MV_NSTREAM
_MV_GRID = (V + _MV_BLK - 1) // _MV_BLK


def _mv_body(u_ref, *refs):
    o_ref = refs[-1]
    for k in range(_MV_NSTREAM):
        o_ref[pl.ds(k * _MV_SUB, _MV_SUB)] = lax.dot_general(
            u_ref[...], refs[k][...],
            dimension_numbers=(((1,), (1,)), ((), ())),
            preferred_element_type=jnp.float32,
        )[0]


def _matvec(user_table, item_table, row0, nrows):
    blk0 = row0 // _MV_SUB
    grid = (nrows + _MV_BLK - 1) // _MV_BLK

    def _stream_spec(k):
        return pl.BlockSpec((_MV_SUB, F),
                            lambda i, _k=k: (blk0 + i * _MV_NSTREAM + _k, 0))
    return pl.pallas_call(
        _mv_body,
        grid=(grid,),
        in_specs=[pl.BlockSpec((1, F), lambda i: (0, 0))] +
                 [_stream_spec(k) for k in range(_MV_NSTREAM)],
        out_specs=pl.BlockSpec((_MV_BLK,), lambda i: (i,)),
        out_shape=jax.ShapeDtypeStruct((nrows,), jnp.float32),
    )(user_table, *([item_table] * _MV_NSTREAM))



_NC = 2
_NS = 16
_NW = _NC * _NS
_BPW = B // _NW
_CH = 128
_NCH = _BPW // _CH


def _sc_gather_body(scores_hbm, pos_hbm, neg_hbm, d_hbm,
                    idx_p, idx_n, vp, vn, dv, sem):
    wid = lax.axis_index("s") * _NC + lax.axis_index("c")
    base = wid * _BPW
    c1 = pltpu.async_copy(pos_hbm.at[pl.ds(base, _BPW)], idx_p, sem)
    c2 = pltpu.async_copy(neg_hbm.at[pl.ds(base, _BPW)], idx_n, sem)
    c1.wait()
    c2.wait()
    copies = []
    for j in range(_NCH):
        sl = pl.ds(j * _CH, _CH)
        copies.append(pltpu.async_copy(scores_hbm.at[idx_p.at[sl]], vp.at[sl], sem))
        copies.append(pltpu.async_copy(scores_hbm.at[idx_n.at[sl]], vn.at[sl], sem))
    for c in copies:
        c.wait()
    for i in range(_BPW // 16):
        sl = pl.ds(i * 16, 16)
        dv[sl] = vp[sl] - vn[sl]
    pltpu.sync_copy(dv, d_hbm.at[pl.ds(base, _BPW)])


def _sc_gather(scores, pos_i, neg_j):
    mesh = plsc.VectorSubcoreMesh(core_axis_name="c", subcore_axis_name="s")
    kern = functools.partial(
        pl.kernel,
        out_type=jax.ShapeDtypeStruct((B,), jnp.float32),
        mesh=mesh,
        scratch_types=[
            pltpu.VMEM((_BPW,), jnp.int32),
            pltpu.VMEM((_BPW,), jnp.int32),
            pltpu.VMEM((_BPW,), jnp.float32),
            pltpu.VMEM((_BPW,), jnp.float32),
            pltpu.VMEM((_BPW,), jnp.float32),
            pltpu.SemaphoreType.DMA,
        ],
    )(_sc_gather_body)
    return kern(scores, pos_i, neg_j)



def _loss_body(d_ref, o_ref):
    x = d_ref[...]
    ls = jnp.minimum(x, 0.0) - jnp.log1p(jnp.exp(-jnp.abs(x)))
    o_ref[0, 0] = -jnp.sum(ls)


def _loss(d2):
    return pl.pallas_call(
        _loss_body,
        out_specs=pl.BlockSpec(memory_space=pltpu.SMEM),
        out_shape=jax.ShapeDtypeStruct((1, 1), jnp.float32),
    )(d2)


def kernel(n_user, pos_i, neg_j, user_table, item_table):
    del n_user
    scores = _matvec(user_table, item_table, 0, V)
    d = _sc_gather(scores, pos_i, neg_j)
    loss = _loss(d.reshape(128, 128))
    return loss[0, 0]

# --- scband reference (transcript-rebuilt; emitter-appended) ---
"""Pipeline reference for scband-update-user-23656679867550 (READ-ONLY COPY).

The authoritative reference and input builder live on the scoring server;
editing this copy changes nothing except your own understanding.
"""

import jax, jax.numpy as jnp
import numpy as np

B = 16384
V = 100000
F = 128

def setup_inputs(seed: int = 0) -> dict:
    key = jax.random.key(seed)
    k1, k2, k3, k4 = jax.random.split(key, 4)
    n_user = jnp.zeros((B,), dtype=jnp.int32)
    pos_i = jax.random.randint(k1, (B,), 0, V, dtype=jnp.int32)
    neg_j = jax.random.randint(k2, (B,), 0, V, dtype=jnp.int32)
    user_table = jax.random.normal(k3, (1, F), dtype=jnp.float32) * 0.01
    item_table = jax.random.normal(k4, (V, F), dtype=jnp.float32)
    return {"n_user": n_user, "pos_i": pos_i, "neg_j": neg_j, "user_table": user_table, "item_table": item_table}

def reference(n_user, pos_i, neg_j, user_table, item_table):
    user = jnp.take(user_table, n_user, axis=0)
    pos_e = jnp.take(item_table, pos_i, axis=0)
    neg_e = jnp.take(item_table, neg_j, axis=0)
    pos_predict = jnp.sum(user * pos_e, axis=1)
    neg_predict = jnp.sum(user * neg_e, axis=1)
    log_prob = jnp.sum(jax.nn.log_sigmoid(pos_predict - neg_predict))
    return -log_prob

if __name__ == "__main__":
    import jax
    _d = setup_inputs()
    print(jax.jit(kernel)(*tuple(_d.values())))

</pallas_src>

<mosaic_0001>
#map = affine_map<(d0, d1) -> (0)>
module attributes {stable_mosaic.version = 14 : i64} {
  func.func @_sc_gather_body(%arg0: i32, %arg1: i32, %arg2: memref<100000xf32, #tpu.memory_space<hbm>>, %arg3: memref<16384xi32, #tpu.memory_space<hbm>>, %arg4: memref<16384xi32, #tpu.memory_space<hbm>>, %arg5: memref<16384xf32, #tpu.memory_space<hbm>>, %arg6: memref<512xi32, #tpu.memory_space<vmem>>, %arg7: memref<512xi32, #tpu.memory_space<vmem>>, %arg8: memref<512xf32, #tpu.memory_space<vmem>>, %arg9: memref<512xf32, #tpu.memory_space<vmem>>, %arg10: memref<512xf32, #tpu.memory_space<vmem>>, %arg11: memref<!tpu.dma_semaphore, #tpu.memory_space<semaphore_mem>>) attributes {dimension_semantics = [#tpu.dimension_semantics<core_parallel>, #tpu.dimension_semantics<subcore_parallel>], iteration_bounds = array<i64: 2, 16>, scalar_prefetch = 0 : i64, scratch_operands = 6 : i64, tpu.core_type = #tpu.core_type<sc_vector_subcore>, window_params = [{transform_indices = #map}, {transform_indices = #map}, {transform_indices = #map}, {transform_indices = #map}]} {
    %mul3A = arith.constant 2 : i32
    %mul3A_0 = arith.muli %arg1, %mul3A : i32
    %add3A = arith.addi %mul3A_0, %arg0 : i32
    %mul3A_1 = arith.constant 512 : i32
    %mul3A_2 = arith.muli %add3A, %mul3A_1 : i32
    %dma_start3A = tpu.memref_slice %arg3[%mul3A_2] : memref<16384xi32, #tpu.memory_space<hbm>> -> memref<512xi32, #tpu.memory_space<hbm>>
    %dma_start3A_3 = tpu.memref_slice %arg3[%mul3A_2] : memref<16384xi32, #tpu.memory_space<hbm>> -> memref<512xi32, #tpu.memory_space<hbm>>
    tpu.enqueue_dma source(%dma_start3A_3 : memref<512xi32, #tpu.memory_space<hbm>>) target(%arg6 : memref<512xi32, #tpu.memory_space<vmem>>) target_semaphore(%arg11 : memref<!tpu.dma_semaphore, #tpu.memory_space<semaphore_mem>>)
    %dma_start3A_4 = tpu.memref_slice %arg4[%mul3A_2] : memref<16384xi32, #tpu.memory_space<hbm>> -> memref<512xi32, #tpu.memory_space<hbm>>
    %dma_start3A_5 = tpu.memref_slice %arg4[%mul3A_2] : memref<16384xi32, #tpu.memory_space<hbm>> -> memref<512xi32, #tpu.memory_space<hbm>>
    tpu.enqueue_dma source(%dma_start3A_5 : memref<512xi32, #tpu.memory_space<hbm>>) target(%arg7 : memref<512xi32, #tpu.memory_space<vmem>>) target_semaphore(%arg11 : memref<!tpu.dma_semaphore, #tpu.memory_space<semaphore_mem>>)
    %dma_wait3A = tpu.memref_slice %arg3[%mul3A_2] : memref<16384xi32, #tpu.memory_space<hbm>> -> memref<512xi32, #tpu.memory_space<hbm>>
    %dma_wait3A_6 = tpu.memref_slice %arg3[%mul3A_2] : memref<16384xi32, #tpu.memory_space<hbm>> -> memref<512xi32, #tpu.memory_space<hbm>>
    tpu.wait_dma2 semaphore(%arg11 : memref<!tpu.dma_semaphore, #tpu.memory_space<semaphore_mem>>) src(%dma_wait3A_6 : memref<512xi32, #tpu.memory_space<hbm>>) dst(%arg6 : memref<512xi32, #tpu.memory_space<vmem>>)
    %dma_wait3A_7 = tpu.memref_slice %arg4[%mul3A_2] : memref<16384xi32, #tpu.memory_space<hbm>> -> memref<512xi32, #tpu.memory_space<hbm>>
    %dma_wait3A_8 = tpu.memref_slice %arg4[%mul3A_2] : memref<16384xi32, #tpu.memory_space<hbm>> -> memref<512xi32, #tpu.memory_space<hbm>>
    tpu.wait_dma2 semaphore(%arg11 : memref<!tpu.dma_semaphore, #tpu.memory_space<semaphore_mem>>) src(%dma_wait3A_8 : memref<512xi32, #tpu.memory_space<hbm>>) dst(%arg7 : memref<512xi32, #tpu.memory_space<vmem>>)
    %dma_start3A_9 = arith.constant 0 : i32
    %dma_start3A_10 = tpu.memref_slice %arg8[%dma_start3A_9] : memref<512xf32, #tpu.memory_space<vmem>> -> memref<128xf32, #tpu.memory_space<vmem>>
    %dma_start3A_11 = arith.constant 0 : i32
    %dma_start3A_12 = tpu.memref_slice %arg6[%dma_start3A_11] : memref<512xi32, #tpu.memory_space<vmem>> -> memref<128xi32, #tpu.memory_space<vmem>>
    %dma_start3A_13 = arith.constant 0 : i32
    %dma_start3A_14 = tpu.memref_slice %arg2[%dma_start3A_13] : memref<100000xf32, #tpu.memory_space<hbm>> -> memref<100000xf32, #tpu.memory_space<hbm>>
    tpu.enqueue_indirect_dma source(%dma_start3A_14 : memref<100000xf32, #tpu.memory_space<hbm>>) target(%dma_start3A_10 : memref<128xf32, #tpu.memory_space<vmem>>) offsets(%dma_start3A_12 : memref<128xi32, #tpu.memory_space<vmem>>) semaphore(%arg11 : memref<!tpu.dma_semaphore, #tpu.memory_space<semaphore_mem>>)
    %dma_start3A_15 = arith.constant 0 : i32
    %dma_start3A_16 = tpu.memref_slice %arg9[%dma_start3A_15] : memref<512xf32, #tpu.memory_space<vmem>> -> memref<128xf32, #tpu.memory_space<vmem>>
    %dma_start3A_17 = arith.constant 0 : i32
    %dma_start3A_18 = tpu.memref_slice %arg7[%dma_start3A_17] : memref<512xi32, #tpu.memory_space<vmem>> -> memref<128xi32, #tpu.memory_space<vmem>>
    %dma_start3A_19 = arith.constant 0 : i32
    %dma_start3A_20 = tpu.memref_slice %arg2[%dma_start3A_19] : memref<100000xf32, #tpu.memory_space<hbm>> -> memref<100000xf32, #tpu.memory_space<hbm>>
    tpu.enqueue_indirect_dma source(%dma_start3A_20 : memref<100000xf32, #tpu.memory_space<hbm>>) target(%dma_start3A_16 : memref<128xf32, #tpu.memory_space<vmem>>) offsets(%dma_start3A_18 : memref<128xi32, #tpu.memory_space<vmem>>) semaphore(%arg11 : memref<!tpu.dma_semaphore, #tpu.memory_space<semaphore_mem>>)
    %dma_start3A_21 = arith.constant 128 : i32
    %dma_start3A_22 = tpu.memref_slice %arg8[%dma_start3A_21] : memref<512xf32, #tpu.memory_space<vmem>> -> memref<128xf32, #tpu.memory_space<vmem>>
    %dma_start3A_23 = arith.constant 128 : i32
    %dma_start3A_24 = tpu.memref_slice %arg6[%dma_start3A_23] : memref<512xi32, #tpu.memory_space<vmem>> -> memref<128xi32, #tpu.memory_space<vmem>>
    %dma_start3A_25 = arith.constant 0 : i32
    %dma_start3A_26 = tpu.memref_slice %arg2[%dma_start3A_25] : memref<100000xf32, #tpu.memory_space<hbm>> -> memref<100000xf32, #tpu.memory_space<hbm>>
    tpu.enqueue_indirect_dma source(%dma_start3A_26 : memref<100000xf32, #tpu.memory_space<hbm>>) target(%dma_start3A_22 : memref<128xf32, #tpu.memory_space<vmem>>) offsets(%dma_start3A_24 : memref<128xi32, #tpu.memory_space<vmem>>) semaphore(%arg11 : memref<!tpu.dma_semaphore, #tpu.memory_space<semaphore_mem>>)
    %dma_start3A_27 = arith.constant 128 : i32
    %dma_start3A_28 = tpu.memref_slice %arg9[%dma_start3A_27] : memref<512xf32, #tpu.memory_space<vmem>> -> memref<128xf32, #tpu.memory_space<vmem>>
    %dma_start3A_29 = arith.constant 128 : i32
    %dma_start3A_30 = tpu.memref_slice %arg7[%dma_start3A_29] : memref<512xi32, #tpu.memory_space<vmem>> -> memref<128xi32, #tpu.memory_space<vmem>>
    %dma_start3A_31 = arith.constant 0 : i32
    %dma_start3A_32 = tpu.memref_slice %arg2[%dma_start3A_31] : memref<100000xf32, #tpu.memory_space<hbm>> -> memref<100000xf32, #tpu.memory_space<hbm>>
    tpu.enqueue_indirect_dma source(%dma_start3A_32 : memref<100000xf32, #tpu.memory_space<hbm>>) target(%dma_start3A_28 : memref<128xf32, #tpu.memory_space<vmem>>) offsets(%dma_start3A_30 : memref<128xi32, #tpu.memory_space<vmem>>) semaphore(%arg11 : memref<!tpu.dma_semaphore, #tpu.memory_space<semaphore_mem>>)
    %dma_start3A_33 = arith.constant 256 : i32
    %dma_start3A_34 = tpu.memref_slice %arg8[%dma_start3A_33] : memref<512xf32, #tpu.memory_space<vmem>> -> memref<128xf32, #tpu.memory_space<vmem>>
    %dma_start3A_35 = arith.constant 256 : i32
    %dma_start3A_36 = tpu.memref_slice %arg6[%dma_start3A_35] : memref<512xi32, #tpu.memory_space<vmem>> -> memref<128xi32, #tpu.memory_space<vmem>>
    %dma_start3A_37 = arith.constant 0 : i32
    %dma_start3A_38 = tpu.memref_slice %arg2[%dma_start3A_37] : memref<100000xf32, #tpu.memory_space<hbm>> -> memref<100000xf32, #tpu.memory_space<hbm>>
    tpu.enqueue_indirect_dma source(%dma_start3A_38 : memref<100000xf32, #tpu.memory_space<hbm>>) target(%dma_start3A_34 : memref<128xf32, #tpu.memory_space<vmem>>) offsets(%dma_start3A_36 : memref<128xi32, #tpu.memory_space<vmem>>) semaphore(%arg11 : memref<!tpu.dma_semaphore, #tpu.memory_space<semaphore_mem>>)
    %dma_start3A_39 = arith.constant 256 : i32
    %dma_start3A_40 = tpu.memref_slice %arg9[%dma_start3A_39] : memref<512xf32, #tpu.memory_space<vmem>> -> memref<128xf32, #tpu.memory_space<vmem>>
    %dma_start3A_41 = arith.constant 256 : i32
    %dma_start3A_42 = tpu.memref_slice %arg7[%dma_start3A_41] : memref<512xi32, #tpu.memory_space<vmem>> -> memref<128xi32, #tpu.memory_space<vmem>>
    %dma_start3A_43 = arith.constant 0 : i32
    %dma_start3A_44 = tpu.memref_slice %arg2[%dma_start3A_43] : memref<100000xf32, #tpu.memory_space<hbm>> -> memref<100000xf32, #tpu.memory_space<hbm>>
    tpu.enqueue_indirect_dma source(%dma_start3A_44 : memref<100000xf32, #tpu.memory_space<hbm>>) target(%dma_start3A_40 : memref<128xf32, #tpu.memory_space<vmem>>) offsets(%dma_start3A_42 : memref<128xi32, #tpu.memory_space<vmem>>) semaphore(%arg11 : memref<!tpu.dma_semaphore, #tpu.memory_space<semaphore_mem>>)
    %dma_start3A_45 = arith.constant 384 : i32
    %dma_start3A_46 = tpu.memref_slice %arg8[%dma_start3A_45] : memref<512xf32, #tpu.memory_space<vmem>> -> memref<128xf32, #tpu.memory_space<vmem>>
    %dma_start3A_47 = arith.constant 384 : i32
    %dma_start3A_48 = tpu.memref_slice %arg6[%dma_start3A_47] : memref<512xi32, #tpu.memory_space<vmem>> -> memref<128xi32, #tpu.memory_space<vmem>>
    %dma_start3A_49 = arith.constant 0 : i32
    %dma_start3A_50 = tpu.memref_slice %arg2[%dma_start3A_49] : memref<100000xf32, #tpu.memory_space<hbm>> -> memref<100000xf32, #tpu.memory_space<hbm>>
    tpu.enqueue_indirect_dma source(%dma_start3A_50 : memref<100000xf32, #tpu.memory_space<hbm>>) target(%dma_start3A_46 : memref<128xf32, #tpu.memory_space<vmem>>) offsets(%dma_start3A_48 : memref<128xi32, #tpu.memory_space<vmem>>) semaphore(%arg11 : memref<!tpu.dma_semaphore, #tpu.memory_space<semaphore_mem>>)
    %dma_start3A_51 = arith.constant 384 : i32
    %dma_start3A_52 = tpu.memref_slice %arg9[%dma_start3A_51] : memref<512xf32, #tpu.memory_space<vmem>> -> memref<128xf32, #tpu.memory_space<vmem>>
    %dma_start3A_53 = arith.constant 384 : i32
    %dma_start3A_54 = tpu.memref_slice %arg7[%dma_start3A_53] : memref<512xi32, #tpu.memory_space<vmem>> -> memref<128xi32, #tpu.memory_space<vmem>>
    %dma_start3A_55 = arith.constant 0 : i32
    %dma_start3A_56 = tpu.memref_slice %arg2[%dma_start3A_55] : memref<100000xf32, #tpu.memory_space<hbm>> -> memref<100000xf32, #tpu.memory_space<hbm>>
    tpu.enqueue_indirect_dma source(%dma_start3A_56 : memref<100000xf32, #tpu.memory_space<hbm>>) target(%dma_start3A_52 : memref<128xf32, #tpu.memory_space<vmem>>) offsets(%dma_start3A_54 : memref<128xi32, #tpu.memory_space<vmem>>) semaphore(%arg11 : memref<!tpu.dma_semaphore, #tpu.memory_space<semaphore_mem>>)
    %dma_wait3A_57 = arith.constant 0 : i32
    %dma_wait3A_58 = tpu.memref_slice %arg8[%dma_wait3A_57] : memref<512xf32, #tpu.memory_space<vmem>> -> memref<128xf32, #tpu.memory_space<vmem>>
    %dma_wait3A_59 = arith.constant 0 : i32
    %dma_wait3A_60 = tpu.memref_slice %arg6[%dma_wait3A_59] : memref<512xi32, #tpu.memory_space<vmem>> -> memref<128xi32, #tpu.memory_space<vmem>>
    %dma_wait3A_61 = arith.constant 0 : i32
    %dma_wait3A_62 = tpu.memref_slice %arg2[%dma_wait3A_61] : memref<100000xf32, #tpu.memory_space<hbm>> -> memref<100000xf32, #tpu.memory_space<hbm>>
    tpu.wait_indirect_dma semaphore(%arg11 : memref<!tpu.dma_semaphore, #tpu.memory_space<semaphore_mem>>) src(%dma_wait3A_62 : memref<100000xf32, #tpu.memory_space<hbm>>) dst(%dma_wait3A_58 : memref<128xf32, #tpu.memory_space<vmem>>)
    %dma_wait3A_63 = arith.constant 0 : i32
    %dma_wait3A_64 = tpu.memref_slice %arg9[%dma_wait3A_63] : memref<512xf32, #tpu.memory_space<vmem>> -> memref<128xf32, #tpu.memory_space<vmem>>
    %dma_wait3A_65 = arith.constant 0 : i32
    %dma_wait3A_66 = tpu.memref_slice %arg7[%dma_wait3A_65] : memref<512xi32, #tpu.memory_space<vmem>> -> memref<128xi32, #tpu.memory_space<vmem>>
    %dma_wait3A_67 = arith.constant 0 : i32
    %dma_wait3A_68 = tpu.memref_slice %arg2[%dma_wait3A_67] : memref<100000xf32, #tpu.memory_space<hbm>> -> memref<100000xf32, #tpu.memory_space<hbm>>
    tpu.wait_indirect_dma semaphore(%arg11 : memref<!tpu.dma_semaphore, #tpu.memory_space<semaphore_mem>>) src(%dma_wait3A_68 : memref<100000xf32, #tpu.memory_space<hbm>>) dst(%dma_wait3A_64 : memref<128xf32, #tpu.memory_space<vmem>>)
    %dma_wait3A_69 = arith.constant 128 : i32
    %dma_wait3A_70 = tpu.memref_slice %arg8[%dma_wait3A_69] : memref<512xf32, #tpu.memory_space<vmem>> -> memref<128xf32, #tpu.memory_space<vmem>>
    %dma_wait3A_71 = arith.constant 128 : i32
    %dma_wait3A_72 = tpu.memref_slice %arg6[%dma_wait3A_71] : memref<512xi32, #tpu.memory_space<vmem>> -> memref<128xi32, #tpu.memory_space<vmem>>
    %dma_wait3A_73 = arith.constant 0 : i32
    %dma_wait3A_74 = tpu.memref_slice %arg2[%dma_wait3A_73] : memref<100000xf32, #tpu.memory_space<hbm>> -> memref<100000xf32, #tpu.memory_space<hbm>>
    tpu.wait_indirect_dma semaphore(%arg11 : memref<!tpu.dma_semaphore, #tpu.memory_space<semaphore_mem>>) src(%dma_wait3A_74 : memref<100000xf32, #tpu.memory_space<hbm>>) dst(%dma_wait3A_70 : memref<128xf32, #tpu.memory_space<vmem>>)
    %dma_wait3A_75 = arith.constant 128 : i32
    %dma_wait3A_76 = tpu.memref_slice %arg9[%dma_wait3A_75] : memref<512xf32, #tpu.memory_space<vmem>> -> memref<128xf32, #tpu.memory_space<vmem>>
    %dma_wait3A_77 = arith.constant 128 : i32
    %dma_wait3A_78 = tpu.memref_slice %arg7[%dma_wait3A_77] : memref<512xi32, #tpu.memory_space<vmem>> -> memref<128xi32, #tpu.memory_space<vmem>>
    %dma_wait3A_79 = arith.constant 0 : i32
    %dma_wait3A_80 = tpu.memref_slice %arg2[%dma_wait3A_79] : memref<100000xf32, #tpu.memory_space<hbm>> -> memref<100000xf32, #tpu.memory_space<hbm>>
    tpu.wait_indirect_dma semaphore(%arg11 : memref<!tpu.dma_semaphore, #tpu.memory_space<semaphore_mem>>) src(%dma_wait3A_80 : memref<100000xf32, #tpu.memory_space<hbm>>) dst(%dma_wait3A_76 : memref<128xf32, #tpu.memory_space<vmem>>)
    %dma_wait3A_81 = arith.constant 256 : i32
    %dma_wait3A_82 = tpu.memref_slice %arg8[%dma_wait3A_81] : memref<512xf32, #tpu.memory_space<vmem>> -> memref<128xf32, #tpu.memory_space<vmem>>
    %dma_wait3A_83 = arith.constant 256 : i32
    %dma_wait3A_84 = tpu.memref_slice %arg6[%dma_wait3A_83] : memref<512xi32, #tpu.memory_space<vmem>> -> memref<128xi32, #tpu.memory_space<vmem>>
    %dma_wait3A_85 = arith.constant 0 : i32
    %dma_wait3A_86 = tpu.memref_slice %arg2[%dma_wait3A_85] : memref<100000xf32, #tpu.memory_space<hbm>> -> memref<100000xf32, #tpu.memory_space<hbm>>
    tpu.wait_indirect_dma semaphore(%arg11 : memref<!tpu.dma_semaphore, #tpu.memory_space<semaphore_mem>>) src(%dma_wait3A_86 : memref<100000xf32, #tpu.memory_space<hbm>>) dst(%dma_wait3A_82 : memref<128xf32, #tpu.memory_space<vmem>>)
    %dma_wait3A_87 = arith.constant 256 : i32
    %dma_wait3A_88 = tpu.memref_slice %arg9[%dma_wait3A_87] : memref<512xf32, #tpu.memory_space<vmem>> -> memref<128xf32, #tpu.memory_space<vmem>>
    %dma_wait3A_89 = arith.constant 256 : i32
    %dma_wait3A_90 = tpu.memref_slice %arg7[%dma_wait3A_89] : memref<512xi32, #tpu.memory_space<vmem>> -> memref<128xi32, #tpu.memory_space<vmem>>
    %dma_wait3A_91 = arith.constant 0 : i32
    %dma_wait3A_92 = tpu.memref_slice %arg2[%dma_wait3A_91] : memref<100000xf32, #tpu.memory_space<hbm>> -> memref<100000xf32, #tpu.memory_space<hbm>>
    tpu.wait_indirect_dma semaphore(%arg11 : memref<!tpu.dma_semaphore, #tpu.memory_space<semaphore_mem>>) src(%dma_wait3A_92 : memref<100000xf32, #tpu.memory_space<hbm>>) dst(%dma_wait3A_88 : memref<128xf32, #tpu.memory_space<vmem>>)
    %dma_wait3A_93 = arith.constant 384 : i32
    %dma_wait3A_94 = tpu.memref_slice %arg8[%dma_wait3A_93] : memref<512xf32, #tpu.memory_space<vmem>> -> memref<128xf32, #tpu.memory_space<vmem>>
    %dma_wait3A_95 = arith.constant 384 : i32
    %dma_wait3A_96 = tpu.memref_slice %arg6[%dma_wait3A_95] : memref<512xi32, #tpu.memory_space<vmem>> -> memref<128xi32, #tpu.memory_space<vmem>>
    %dma_wait3A_97 = arith.constant 0 : i32
    %dma_wait3A_98 = tpu.memref_slice %arg2[%dma_wait3A_97] : memref<100000xf32, #tpu.memory_space<hbm>> -> memref<100000xf32, #tpu.memory_space<hbm>>
    tpu.wait_indirect_dma semaphore(%arg11 : memref<!tpu.dma_semaphore, #tpu.memory_space<semaphore_mem>>) src(%dma_wait3A_98 : memref<100000xf32, #tpu.memory_space<hbm>>) dst(%dma_wait3A_94 : memref<128xf32, #tpu.memory_space<vmem>>)
    %dma_wait3A_99 = arith.constant 384 : i32
    %dma_wait3A_100 = tpu.memref_slice %arg9[%dma_wait3A_99] : memref<512xf32, #tpu.memory_space<vmem>> -> memref<128xf32, #tpu.memory_space<vmem>>
    %dma_wait3A_101 = arith.constant 384 : i32
    %dma_wait3A_102 = tpu.memref_slice %arg7[%dma_wait3A_101] : memref<512xi32, #tpu.memory_space<vmem>> -> memref<128xi32, #tpu.memory_space<vmem>>
    %dma_wait3A_103 = arith.constant 0 : i32
    %dma_wait3A_104 = tpu.memref_slice %arg2[%dma_wait3A_103] : memref<100000xf32, #tpu.memory_space<hbm>> -> memref<100000xf32, #tpu.memory_space<hbm>>
    tpu.wait_indirect_dma semaphore(%arg11 : memref<!tpu.dma_semaphore, #tpu.memory_space<semaphore_mem>>) src(%dma_wait3A_104 : memref<100000xf32, #tpu.memory_space<hbm>>) dst(%dma_wait3A_100 : memref<128xf32, #tpu.memory_space<vmem>>)
    %get3A = arith.constant 0 : index
    %get3A_105 = tpu.vector_load %arg8[%get3A] {strides = array<i32>} : memref<512xf32, #tpu.memory_space<vmem>>, vector<16xf32>,
    %get3A_106 = vector.shape_cast %get3A_105 : vector<16xf32> to vector<16xf32>
    %get3A_107 = arith.constant 0 : index
    %get3A_108 = tpu.vector_load %arg9[%get3A_107] {strides = array<i32>} : memref<512xf32, #tpu.memory_space<vmem>>, vector<16xf32>,
    %get3A_109 = vector.shape_cast %get3A_108 : vector<16xf32> to vector<16xf32>
    %sub3A = arith.subf %get3A_106, %get3A_109 : vector<16xf32>
    %swap3A = arith.constant 0 : index
    %swap3A_110 = tpu.vector_load %arg10[%swap3A] {strides = array<i32>} : memref<512xf32, #tpu.memory_space<vmem>>, vector<16xf32>,
    %swap3A_111 = vector.shape_cast %swap3A_110 : vector<16xf32> to vector<16xf32>
    %swap3A_112 = vector.shape_cast %sub3A : vector<16xf32> to vector<16xf32>
    tpu.vector_store %arg10[%swap3A], %swap3A_112 {strides = array<i32>} : memref<512xf32, #tpu.memory_space<vmem>>, vector<16xf32>,
    %get3A_113 = arith.constant 16 : index
    %get3A_114 = tpu.vector_load %arg8[%get3A_113] {strides = array<i32>} : memref<512xf32, #tpu.memory_space<vmem>>, vector<16xf32>,
    %get3A_115 = vector.shape_cast %get3A_114 : vector<16xf32> to vector<16xf32>
    %get3A_116 = arith.constant 16 : index
    %get3A_117 = tpu.vector_load %arg9[%get3A_116] {strides = array<i32>} : memref<512xf32, #tpu.memory_space<vmem>>, vector<16xf32>,
    %get3A_118 = vector.shape_cast %get3A_117 : vector<16xf32> to vector<16xf32>
    %sub3A_119 = arith.subf %get3A_115, %get3A_118 : vector<16xf32>
    %swap3A_120 = arith.constant 16 : index
    %swap3A_121 = tpu.vector_load %arg10[%swap3A_120] {strides = array<i32>} : memref<512xf32, #tpu.memory_space<vmem>>, vector<16xf32>,
    %swap3A_122 = vector.shape_cast %swap3A_121 : vector<16xf32> to vector<16xf32>
    %swap3A_123 = vector.shape_cast %sub3A_119 : vector<16xf32> to vector<16xf32>
    tpu.vector_store %arg10[%swap3A_120], %swap3A_123 {strides = array<i32>} : memref<512xf32, #tpu.memory_space<vmem>>, vector<16xf32>,
    %get3A_124 = arith.constant 32 : index
    %get3A_125 = tpu.vector_load %arg8[%get3A_124] {strides = array<i32>} : memref<512xf32, #tpu.memory_space<vmem>>, vector<16xf32>,
    %get3A_126 = vector.shape_cast %get3A_125 : vector<16xf32> to vector<16xf32>
    %get3A_127 = arith.constant 32 : index
    %get3A_128 = tpu.vector_load %arg9[%get3A_127] {strides = array<i32>} : memref<512xf32, #tpu.memory_space<vmem>>, vector<16xf32>,
    %get3A_129 = vector.shape_cast %get3A_128 : vector<16xf32> to vector<16xf32>
    %sub3A_130 = arith.subf %get3A_126, %get3A_129 : vector<16xf32>
    %swap3A_131 = arith.constant 32 : index
    %swap3A_132 = tpu.vector_load %arg10[%swap3A_131] {strides = array<i32>} : memref<512xf32, #tpu.memory_space<vmem>>, vector<16xf32>,
    %swap3A_133 = vector.shape_cast %swap3A_132 : vector<16xf32> to vector<16xf32>
    %swap3A_134 = vector.shape_cast %sub3A_130 : vector<16xf32> to vector<16xf32>
    tpu.vector_store %arg10[%swap3A_131], %swap3A_134 {strides = array<i32>} : memref<512xf32, #tpu.memory_space<vmem>>, vector<16xf32>,
    %get3A_135 = arith.constant 48 : index
    %get3A_136 = tpu.vector_load %arg8[%get3A_135] {strides = array<i32>} : memref<512xf32, #tpu.memory_space<vmem>>, vector<16xf32>,
    %get3A_137 = vector.shape_cast %get3A_136 : vector<16xf32> to vector<16xf32>
    %get3A_138 = arith.constant 48 : index
    %get3A_139 = tpu.vector_load %arg9[%get3A_138] {strides = array<i32>} : memref<512xf32, #tpu.memory_space<vmem>>, vector<16xf32>,
    %get3A_140 = vector.shape_cast %get3A_139 : vector<16xf32> to vector<16xf32>
    %sub3A_141 = arith.subf %get3A_137, %get3A_140 : vector<16xf32>
    %swap3A_142 = arith.constant 48 : index
    %swap3A_143 = tpu.vector_load %arg10[%swap3A_142] {strides = array<i32>} : memref<512xf32, #tpu.memory_space<vmem>>, vector<16xf32>,
    %swap3A_144 = vector.shape_cast %swap3A_143 : vector<16xf32> to vector<16xf32>
    %swap3A_145 = vector.shape_cast %sub3A_141 : vector<16xf32> to vector<16xf32>
    tpu.vector_store %arg10[%swap3A_142], %swap3A_145 {strides = array<i32>} : memref<512xf32, #tpu.memory_space<vmem>>, vector<16xf32>,
    %get3A_146 = arith.constant 64 : index
    %get3A_147 = tpu.vector_load %arg8[%get3A_146] {strides = array<i32>} : memref<512xf32, #tpu.memory_space<vmem>>, vector<16xf32>,
    %get3A_148 = vector.shape_cast %get3A_147 : vector<16xf32> to vector<16xf32>
    %get3A_149 = arith.constant 64 : index
    %get3A_150 = tpu.vector_load %arg9[%get3A_149] {strides = array<i32>} : memref<512xf32, #tpu.memory_space<vmem>>, vector<16xf32>,
    %get3A_151 = vector.shape_cast %get3A_150 : vector<16xf32> to vector<16xf32>
    %sub3A_152 = arith.subf %get3A_148, %get3A_151 : vector<16xf32>
    %swap3A_153 = arith.constant 64 : index
    %swap3A_154 = tpu.vector_load %arg10[%swap3A_153] {strides = array<i32>} : memref<512xf32, #tpu.memory_space<vmem>>, vector<16xf32>,
    %swap3A_155 = vector.shape_cast %swap3A_154 : vector<16xf32> to vector<16xf32>
    %swap3A_156 = vector.shape_cast %sub3A_152 : vector<16xf32> to vector<16xf32>
    tpu.vector_store %arg10[%swap3A_153], %swap3A_156 {strides = array<i32>} : memref<512xf32, #tpu.memory_space<vmem>>, vector<16xf32>,
    %get3A_157 = arith.constant 80 : index
    %get3A_158 = tpu.vector_load %arg8[%get3A_157] {strides = array<i32>} : memref<512xf32, #tpu.memory_space<vmem>>, vector<16xf32>,
    %get3A_159 = vector.shape_cast %get3A_158 : vector<16xf32> to vector<16xf32>
    %get3A_160 = arith.constant 80 : index
    %get3A_161 = tpu.vector_load %arg9[%get3A_160] {strides = array<i32>} : memref<512xf32, #tpu.memory_space<vmem>>, vector<16xf32>,
    %get3A_162 = vector.shape_cast %get3A_161 : vector<16xf32> to vector<16xf32>
    %sub3A_163 = arith.subf %get3A_159, %get3A_162 : vector<16xf32>
    %swap3A_164 = arith.constant 80 : index
    %swap3A_165 = tpu.vector_load %arg10[%swap3A_164] {strides = array<i32>} : memref<512xf32, #tpu.memory_space<vmem>>, vector<16xf32>,
    %swap3A_166 = vector.shape_cast %swap3A_165 : vector<16xf32> to vector<16xf32>
    %swap3A_167 = vector.shape_cast %sub3A_163 : vector<16xf32> to vector<16xf32>
    tpu.vector_store %arg10[%swap3A_164], %swap3A_167 {strides = array<i32>} : memref<512xf32, #tpu.memory_space<vmem>>, vector<16xf32>,
    %get3A_168 = arith.constant 96 : index
    %get3A_169 = tpu.vector_load %arg8[%get3A_168] {strides = array<i32>} : memref<512xf32, #tpu.memory_space<vmem>>, vector<16xf32>,
    %get3A_170 = vector.shape_cast %get3A_169 : vector<16xf32> to vector<16xf32>
    %get3A_171 = arith.constant 96 : index
    %get3A_172 = tpu.vector_load %arg9[%get3A_171] {strides = array<i32>} : memref<512xf32, #tpu.memory_space<vmem>>, vector<16xf32>,
    %get3A_173 = vector.shape_cast %get3A_172 : vector<16xf32> to vector<16xf32>
    %sub3A_174 = arith.subf %get3A_170, %get3A_173 : vector<16xf32>
    %swap3A_175 = arith.constant 96 : index
    %swap3A_176 = tpu.vector_load %arg10[%swap3A_175] {strides = array<i32>} : memref<512xf32, #tpu.memory_space<vmem>>, vector<16xf32>,
    %swap3A_177 = vector.shape_cast %swap3A_176 : vector<16xf32> to vector<16xf32>
    %swap3A_178 = vector.shape_cast %sub3A_174 : vector<16xf32> to vector<16xf32>
    tpu.vector_store %arg10[%swap3A_175], %swap3A_178 {strides = array<i32>} : memref<512xf32, #tpu.memory_space<vmem>>, vector<16xf32>,
    %get3A_179 = arith.constant 112 : index
    %get3A_180 = tpu.vector_load %arg8[%get3A_179] {strides = array<i32>} : memref<512xf32, #tpu.memory_space<vmem>>, vector<16xf32>,
    %get3A_181 = vector.shape_cast %get3A_180 : vector<16xf32> to vector<16xf32>
    %get3A_182 = arith.constant 112 : index
    %get3A_183 = tpu.vector_load %arg9[%get3A_182] {strides = array<i32>} : memref<512xf32, #tpu.memory_space<vmem>>, vector<16xf32>,
    %get3A_184 = vector.shape_cast %get3A_183 : vector<16xf32> to vector<16xf32>
    %sub3A_185 = arith.subf %get3A_181, %get3A_184 : vector<16xf32>
    %swap3A_186 = arith.constant 112 : index
    %swap3A_187 = tpu.vector_load %arg10[%swap3A_186] {strides = array<i32>} : memref<512xf32, #tpu.memory_space<vmem>>, vector<16xf32>,
    %swap3A_188 = vector.shape_cast %swap3A_187 : vector<16xf32> to vector<16xf32>
    %swap3A_189 = vector.shape_cast %sub3A_185 : vector<16xf32> to vector<16xf32>
    tpu.vector_store %arg10[%swap3A_186], %swap3A_189 {strides = array<i32>} : memref<512xf32, #tpu.memory_space<vmem>>, vector<16xf32>,
    %get3A_190 = arith.constant 128 : index
    %get3A_191 = tpu.vector_load %arg8[%get3A_190] {strides = array<i32>} : memref<512xf32, #tpu.memory_space<vmem>>, vector<16xf32>,
    %get3A_192 = vector.shape_cast %get3A_191 : vector<16xf32> to vector<16xf32>
    %get3A_193 = arith.constant 128 : index
    %get3A_194 = tpu.vector_load %arg9[%get3A_193] {strides = array<i32>} : memref<512xf32, #tpu.memory_space<vmem>>, vector<16xf32>,
    %get3A_195 = vector.shape_cast %get3A_194 : vector<16xf32> to vector<16xf32>
    %sub3A_196 = arith.subf %get3A_192, %get3A_195 : vector<16xf32>
    %swap3A_197 = arith.constant 128 : index
    %swap3A_198 = tpu.vector_load %arg10[%swap3A_197] {strides = array<i32>} : memref<512xf32, #tpu.memory_space<vmem>>, vector<16xf32>,
    %swap3A_199 = vector.shape_cast %swap3A_198 : vector<16xf32> to vector<16xf32>
    %swap3A_200 = vector.shape_cast %sub3A_196 : vector<16xf32> to vector<16xf32>
    tpu.vector_store %arg10[%swap3A_197], %swap3A_200 {strides = array<i32>} : memref<512xf32, #tpu.memory_space<vmem>>, vector<16xf32>,
    %get3A_201 = arith.constant 144 : index
    %get3A_202 = tpu.vector_load %arg8[%get3A_201] {strides = array<i32>} : memref<512xf32, #tpu.memory_space<vmem>>, vector<16xf32>,
    %get3A_203 = vector.shape_cast %get3A_202 : vector<16xf32> to vector<16xf32>
    %get3A_204 = arith.constant 144 : index
    %get3A_205 = tpu.vector_load %arg9[%get3A_204] {strides = array<i32>} : memref<512xf32, #tpu.memory_space<vmem>>, vector<16xf32>,
    %get3A_206 = vector.shape_cast %get3A_205 : vector<16xf32> to vector<16xf32>
    %sub3A_207 = arith.subf %get3A_203, %get3A_206 : vector<16xf32>
    %swap3A_208 = arith.constant 144 : index
    %swap3A_209 = tpu.vector_load %arg10[%swap3A_208] {strides = array<i32>} : memref<512xf32, #tpu.memory_space<vmem>>, vector<16xf32>,
    %swap3A_210 = vector.shape_cast %swap3A_209 : vector<16xf32> to vector<16xf32>
    %swap3A_211 = vector.shape_cast %sub3A_207 : vector<16xf32> to vector<16xf32>
    tpu.vector_store %arg10[%swap3A_208], %swap3A_211 {strides = array<i32>} : memref<512xf32, #tpu.memory_space<vmem>>, vector<16xf32>,
    %get3A_212 = arith.constant 160 : index
    %get3A_213 = tpu.vector_load %arg8[%get3A_212] {strides = array<i32>} : memref<512xf32, #tpu.memory_space<vmem>>, vector<16xf32>,
    %get3A_214 = vector.shape_cast %get3A_213 : vector<16xf32> to vector<16xf32>
    %get3A_215 = arith.constant 160 : index
    %get3A_216 = tpu.vector_load %arg9[%get3A_215] {strides = array<i32>} : memref<512xf32, #tpu.memory_space<vmem>>, vector<16xf32>,
    %get3A_217 = vector.shape_cast %get3A_216 : vector<16xf32> to vector<16xf32>
    %sub3A_218 = arith.subf %get3A_214, %get3A_217 : vector<16xf32>
    %swap3A_219 = arith.constant 160 : index
    %swap3A_220 = tpu.vector_load %arg10[%swap3A_219] {strides = array<i32>} : memref<512xf32, #tpu.memory_space<vmem>>, vector<16xf32>,
    %swap3A_221 = vector.shape_cast %swap3A_220 : vector<16xf32> to vector<16xf32>
    %swap3A_222 = vector.shape_cast %sub3A_218 : vector<16xf32> to vector<16xf32>
    tpu.vector_store %arg10[%swap3A_219], %swap3A_222 {strides = array<i32>} : memref<512xf32, #tpu.memory_space<vmem>>, vector<16xf32>,
    %get3A_223 = arith.constant 176 : index
    %get3A_224 = tpu.vector_load %arg8[%get3A_223] {strides = array<i32>} : memref<512xf32, #tpu.memory_space<vmem>>, vector<16xf32>,
    %get3A_225 = vector.shape_cast %get3A_224 : vector<16xf32> to vector<16xf32>
    %get3A_226 = arith.constant 176 : index
    %get3A_227 = tpu.vector_load %arg9[%get3A_226] {strides = array<i32>} : memref<512xf32, #tpu.memory_space<vmem>>, vector<16xf32>,
    %get3A_228 = vector.shape_cast %get3A_227 : vector<16xf32> to vector<16xf32>
    %sub3A_229 = arith.subf %get3A_225, %get3A_228 : vector<16xf32>
    %swap3A_230 = arith.constant 176 : index
    %swap3A_231 = tpu.vector_load %arg10[%swap3A_230] {strides = array<i32>} : memref<512xf32, #tpu.memory_space<vmem>>, vector<16xf32>,
    %swap3A_232 = vector.shape_cast %swap3A_231 : vector<16xf32> to vector<16xf32>
    %swap3A_233 = vector.shape_cast %sub3A_229 : vector<16xf32> to vector<16xf32>
    tpu.vector_store %arg10[%swap3A_230], %swap3A_233 {strides = array<i32>} : memref<512xf32, #tpu.memory_space<vmem>>, vector<16xf32>,
    %get3A_234 = arith.constant 192 : index
    %get3A_235 = tpu.vector_load %arg8[%get3A_234] {strides = array<i32>} : memref<512xf32, #tpu.memory_space<vmem>>, vector<16xf32>,
    %get3A_236 = vector.shape_cast %get3A_235 : vector<16xf32> to vector<16xf32>
    %get3A_237 = arith.constant 192 : index
    %get3A_238 = tpu.vector_load %arg9[%get3A_237] {strides = array<i32>} : memref<512xf32, #tpu.memory_space<vmem>>, vector<16xf32>,
    %get3A_239 = vector.shape_cast %get3A_238 : vector<16xf32> to vector<16xf32>
    %sub3A_240 = arith.subf %get3A_236, %get3A_239 : vector<16xf32>
    %swap3A_241 = arith.constant 192 : index
    %swap3A_242 = tpu.vector_load %arg10[%swap3A_241] {strides = array<i32>} : memref<512xf32, #tpu.memory_space<vmem>>, vector<16xf32>,
    %swap3A_243 = vector.shape_cast %swap3A_242 : vector<16xf32> to vector<16xf32>
    %swap3A_244 = vector.shape_cast %sub3A_240 : vector<16xf32> to vector<16xf32>
    tpu.vector_store %arg10[%swap3A_241], %swap3A_244 {strides = array<i32>} : memref<512xf32, #tpu.memory_space<vmem>>, vector<16xf32>,
    %get3A_245 = arith.constant 208 : index
    %get3A_246 = tpu.vector_load %arg8[%get3A_245] {strides = array<i32>} : memref<512xf32, #tpu.memory_space<vmem>>, vector<16xf32>,
    %get3A_247 = vector.shape_cast %get3A_246 : vector<16xf32> to vector<16xf32>
    %get3A_248 = arith.constant 208 : index
    %get3A_249 = tpu.vector_load %arg9[%get3A_248] {strides = array<i32>} : memref<512xf32, #tpu.memory_space<vmem>>, vector<16xf32>,
    %get3A_250 = vector.shape_cast %get3A_249 : vector<16xf32> to vector<16xf32>
    %sub3A_251 = arith.subf %get3A_247, %get3A_250 : vector<16xf32>
    %swap3A_252 = arith.constant 208 : index
    %swap3A_253 = tpu.vector_load %arg10[%swap3A_252] {strides = array<i32>} : memref<512xf32, #tpu.memory_space<vmem>>, vector<16xf32>,
    %swap3A_254 = vector.shape_cast %swap3A_253 : vector<16xf32> to vector<16xf32>
    %swap3A_255 = vector.shape_cast %sub3A_251 : vector<16xf32> to vector<16xf32>
    tpu.vector_store %arg10[%swap3A_252], %swap3A_255 {strides = array<i32>} : memref<512xf32, #tpu.memory_space<vmem>>, vector<16xf32>,
    %get3A_256 = arith.constant 224 : index
    %get3A_257 = tpu.vector_load %arg8[%get3A_256] {strides = array<i32>} : memref<512xf32, #tpu.memory_space<vmem>>, vector<16xf32>,
    %get3A_258 = vector.shape_cast %get3A_257 : vector<16xf32> to vector<16xf32>
    %get3A_259 = arith.constant 224 : index
    %get3A_260 = tpu.vector_load %arg9[%get3A_259] {strides = array<i32>} : memref<512xf32, #tpu.memory_space<vmem>>, vector<16xf32>,
    %get3A_261 = vector.shape_cast %get3A_260 : vector<16xf32> to vector<16xf32>
    %sub3A_262 = arith.subf %get3A_258, %get3A_261 : vector<16xf32>
    %swap3A_263 = arith.constant 224 : index
    %swap3A_264 = tpu.vector_load %arg10[%swap3A_263] {strides = array<i32>} : memref<512xf32, #tpu.memory_space<vmem>>, vector<16xf32>,
    %swap3A_265 = vector.shape_cast %swap3A_264 : vector<16xf32> to vector<16xf32>
    %swap3A_266 = vector.shape_cast %sub3A_262 : vector<16xf32> to vector<16xf32>
    tpu.vector_store %arg10[%swap3A_263], %swap3A_266 {strides = array<i32>} : memref<512xf32, #tpu.memory_space<vmem>>, vector<16xf32>,
    %get3A_267 = arith.constant 240 : index
    %get3A_268 = tpu.vector_load %arg8[%get3A_267] {strides = array<i32>} : memref<512xf32, #tpu.memory_space<vmem>>, vector<16xf32>,
    %get3A_269 = vector.shape_cast %get3A_268 : vector<16xf32> to vector<16xf32>
    %get3A_270 = arith.constant 240 : index
    %get3A_271 = tpu.vector_load %arg9[%get3A_270] {strides = array<i32>} : memref<512xf32, #tpu.memory_space<vmem>>, vector<16xf32>,
    %get3A_272 = vector.shape_cast %get3A_271 : vector<16xf32> to vector<16xf32>
    %sub3A_273 = arith.subf %get3A_269, %get3A_272 : vector<16xf32>
    %swap3A_274 = arith.constant 240 : index
    %swap3A_275 = tpu.vector_load %arg10[%swap3A_274] {strides = array<i32>} : memref<512xf32, #tpu.memory_space<vmem>>, vector<16xf32>,
    %swap3A_276 = vector.shape_cast %swap3A_275 : vector<16xf32> to vector<16xf32>
    %swap3A_277 = vector.shape_cast %sub3A_273 : vector<16xf32> to vector<16xf32>
    tpu.vector_store %arg10[%swap3A_274], %swap3A_277 {strides = array<i32>} : memref<512xf32, #tpu.memory_space<vmem>>, vector<16xf32>,
    %get3A_278 = arith.constant 256 : index
    %get3A_279 = tpu.vector_load %arg8[%get3A_278] {strides = array<i32>} : memref<512xf32, #tpu.memory_space<vmem>>, vector<16xf32>,
    %get3A_280 = vector.shape_cast %get3A_279 : vector<16xf32> to vector<16xf32>
    %get3A_281 = arith.constant 256 : index
    %get3A_282 = tpu.vector_load %arg9[%get3A_281] {strides = array<i32>} : memref<512xf32, #tpu.memory_space<vmem>>, vector<16xf32>,
    %get3A_283 = vector.shape_cast %get3A_282 : vector<16xf32> to vector<16xf32>
    %sub3A_284 = arith.subf %get3A_280, %get3A_283 : vector<16xf32>
    %swap3A_285 = arith.constant 256 : index
    %swap3A_286 = tpu.vector_load %arg10[%swap3A_285] {strides = array<i32>} : memref<512xf32, #tpu.memory_space<vmem>>, vector<16xf32>,
    %swap3A_287 = vector.shape_cast %swap3A_286 : vector<16xf32> to vector<16xf32>
    %swap3A_288 = vector.shape_cast %sub3A_284 : vector<16xf32> to vector<16xf32>
    tpu.vector_store %arg10[%swap3A_285], %swap3A_288 {strides = array<i32>} : memref<512xf32, #tpu.memory_space<vmem>>, vector<16xf32>,
    %get3A_289 = arith.constant 272 : index
    %get3A_290 = tpu.vector_load %arg8[%get3A_289] {strides = array<i32>} : memref<512xf32, #tpu.memory_space<vmem>>, vector<16xf32>,
    %get3A_291 = vector.shape_cast %get3A_290 : vector<16xf32> to vector<16xf32>
    %get3A_292 = arith.constant 272 : index
    %get3A_293 = tpu.vector_load %arg9[%get3A_292] {strides = array<i32>} : memref<512xf32, #tpu.memory_space<vmem>>, vector<16xf32>,
    %get3A_294 = vector.shape_cast %get3A_293 : vector<16xf32> to vector<16xf32>
    %sub3A_295 = arith.subf %get3A_291, %get3A_294 : vector<16xf32>
    %swap3A_296 = arith.constant 272 : index
    %swap3A_297 = tpu.vector_load %arg10[%swap3A_296] {strides = array<i32>} : memref<512xf32, #tpu.memory_space<vmem>>, vector<16xf32>,
    %swap3A_298 = vector.shape_cast %swap3A_297 : vector<16xf32> to vector<16xf32>
    %swap3A_299 = vector.shape_cast %sub3A_295 : vector<16xf32> to vector<16xf32>
    tpu.vector_store %arg10[%swap3A_296], %swap3A_299 {strides = array<i32>} : memref<512xf32, #tpu.memory_space<vmem>>, vector<16xf32>,
    %get3A_300 = arith.constant 288 : index
    %get3A_301 = tpu.vector_load %arg8[%get3A_300] {strides = array<i32>} : memref<512xf32, #tpu.memory_space<vmem>>, vector<16xf32>,
    %get3A_302 = vector.shape_cast %get3A_301 : vector<16xf32> to vector<16xf32>
    %get3A_303 = arith.constant 288 : index
    %get3A_304 = tpu.vector_load %arg9[%get3A_303] {strides = array<i32>} : memref<512xf32, #tpu.memory_space<vmem>>, vector<16xf32>,
    %get3A_305 = vector.shape_cast %get3A_304 : vector<16xf32> to vector<16xf32>
    %sub3A_306 = arith.subf %get3A_302, %get3A_305 : vector<16xf32>
    %swap3A_307 = arith.constant 288 : index
    %swap3A_308 = tpu.vector_load %arg10[%swap3A_307] {strides = array<i32>} : memref<512xf32, #tpu.memory_space<vmem>>, vector<16xf32>,
    %swap3A_309 = vector.shape_cast %swap3A_308 : vector<16xf32> to vector<16xf32>
    %swap3A_310 = vector.shape_cast %sub3A_306 : vector<16xf32> to vector<16xf32>
    tpu.vector_store %arg10[%swap3A_307], %swap3A_310 {strides = array<i32>} : memref<512xf32, #tpu.memory_space<vmem>>, vector<16xf32>,
    %get3A_311 = arith.constant 304 : index
    %get3A_312 = tpu.vector_load %arg8[%get3A_311] {strides = array<i32>} : memref<512xf32, #tpu.memory_space<vmem>>, vector<16xf32>,
    %get3A_313 = vector.shape_cast %get3A_312 : vector<16xf32> to vector<16xf32>
    %get3A_314 = arith.constant 304 : index
    %get3A_315 = tpu.vector_load %arg9[%get3A_314] {strides = array<i32>} : memref<512xf32, #tpu.memory_space<vmem>>, vector<16xf32>,
    %get3A_316 = vector.shape_cast %get3A_315 : vector<16xf32> to vector<16xf32>
    %sub3A_317 = arith.subf %get3A_313, %get3A_316 : vector<16xf32>
    %swap3A_318 = arith.constant 304 : index
    %swap3A_319 = tpu.vector_load %arg10[%swap3A_318] {strides = array<i32>} : memref<512xf32, #tpu.memory_space<vmem>>, vector<16xf32>,
    %swap3A_320 = vector.shape_cast %swap3A_319 : vector<16xf32> to vector<16xf32>
    %swap3A_321 = vector.shape_cast %sub3A_317 : vector<16xf32> to vector<16xf32>
    tpu.vector_store %arg10[%swap3A_318], %swap3A_321 {strides = array<i32>} : memref<512xf32, #tpu.memory_space<vmem>>, vector<16xf32>,
    %get3A_322 = arith.constant 320 : index
    %get3A_323 = tpu.vector_load %arg8[%get3A_322] {strides = array<i32>} : memref<512xf32, #tpu.memory_space<vmem>>, vector<16xf32>,
    %get3A_324 = vector.shape_cast %get3A_323 : vector<16xf32> to vector<16xf32>
    %get3A_325 = arith.constant 320 : index
    %get3A_326 = tpu.vector_load %arg9[%get3A_325] {strides = array<i32>} : memref<512xf32, #tpu.memory_space<vmem>>, vector<16xf32>,
    %get3A_327 = vector.shape_cast %get3A_326 : vector<16xf32> to vector<16xf32>
    %sub3A_328 = arith.subf %get3A_324, %get3A_327 : vector<16xf32>
    %swap3A_329 = arith.constant 320 : index
    %swap3A_330 = tpu.vector_load %arg10[%swap3A_329] {strides = array<i32>} : memref<512xf32, #tpu.memory_space<vmem>>, vector<16xf32>,
    %swap3A_331 = vector.shape_cast %swap3A_330 : vector<16xf32> to vector<16xf32>
    %swap3A_332 = vector.shape_cast %sub3A_328 : vector<16xf32> to vector<16xf32>
    tpu.vector_store %arg10[%swap3A_329], %swap3A_332 {strides = array<i32>} : memref<512xf32, #tpu.memory_space<vmem>>, vector<16xf32>,
    %get3A_333 = arith.constant 336 : index
    %get3A_334 = tpu.vector_load %arg8[%get3A_333] {strides = array<i32>} : memref<512xf32, #tpu.memory_space<vmem>>, vector<16xf32>,
    %get3A_335 = vector.shape_cast %get3A_334 : vector<16xf32> to vector<16xf32>
    %get3A_336 = arith.constant 336 : index
    %get3A_337 = tpu.vector_load %arg9[%get3A_336] {strides = array<i32>} : memref<512xf32, #tpu.memory_space<vmem>>, vector<16xf32>,
    %get3A_338 = vector.shape_cast %get3A_337 : vector<16xf32> to vector<16xf32>
    %sub3A_339 = arith.subf %get3A_335, %get3A_338 : vector<16xf32>
    %swap3A_340 = arith.constant 336 : index
    %swap3A_341 = tpu.vector_load %arg10[%swap3A_340] {strides = array<i32>} : memref<512xf32, #tpu.memory_space<vmem>>, vector<16xf32>,
    %swap3A_342 = vector.shape_cast %swap3A_341 : vector<16xf32> to vector<16xf32>
    %swap3A_343 = vector.shape_cast %sub3A_339 : vector<16xf32> to vector<16xf32>
    tpu.vector_store %arg10[%swap3A_340], %swap3A_343 {strides = array<i32>} : memref<512xf32, #tpu.memory_space<vmem>>, vector<16xf32>,
    %get3A_344 = arith.constant 352 : index
    %get3A_345 = tpu.vector_load %arg8[%get3A_344] {strides = array<i32>} : memref<512xf32, #tpu.memory_space<vmem>>, vector<16xf32>,
    %get3A_346 = vector.shape_cast %get3A_345 : vector<16xf32> to vector<16xf32>
    %get3A_347 = arith.constant 352 : index
    %get3A_348 = tpu.vector_load %arg9[%get3A_347] {strides = array<i32>} : memref<512xf32, #tpu.memory_space<vmem>>, vector<16xf32>,
    %get3A_349 = vector.shape_cast %get3A_348 : vector<16xf32> to vector<16xf32>
    %sub3A_350 = arith.subf %get3A_346, %get3A_349 : vector<16xf32>
    %swap3A_351 = arith.constant 352 : index
    %swap3A_352 = tpu.vector_load %arg10[%swap3A_351] {strides = array<i32>} : memref<512xf32, #tpu.memory_space<vmem>>, vector<16xf32>,
    %swap3A_353 = vector.shape_cast %swap3A_352 : vector<16xf32> to vector<16xf32>
    %swap3A_354 = vector.shape_cast %sub3A_350 : vector<16xf32> to vector<16xf32>
    tpu.vector_store %arg10[%swap3A_351], %swap3A_354 {strides = array<i32>} : memref<512xf32, #tpu.memory_space<vmem>>, vector<16xf32>,
    %get3A_355 = arith.constant 368 : index
    %get3A_356 = tpu.vector_load %arg8[%get3A_355] {strides = array<i32>} : memref<512xf32, #tpu.memory_space<vmem>>, vector<16xf32>,
    %get3A_357 = vector.shape_cast %get3A_356 : vector<16xf32> to vector<16xf32>
    %get3A_358 = arith.constant 368 : index
    %get3A_359 = tpu.vector_load %arg9[%get3A_358] {strides = array<i32>} : memref<512xf32, #tpu.memory_space<vmem>>, vector<16xf32>,
    %get3A_360 = vector.shape_cast %get3A_359 : vector<16xf32> to vector<16xf32>
    %sub3A_361 = arith.subf %get3A_357, %get3A_360 : vector<16xf32>
    %swap3A_362 = arith.constant 368 : index
    %swap3A_363 = tpu.vector_load %arg10[%swap3A_362] {strides = array<i32>} : memref<512xf32, #tpu.memory_space<vmem>>, vector<16xf32>,
    %swap3A_364 = vector.shape_cast %swap3A_363 : vector<16xf32> to vector<16xf32>
    %swap3A_365 = vector.shape_cast %sub3A_361 : vector<16xf32> to vector<16xf32>
    tpu.vector_store %arg10[%swap3A_362], %swap3A_365 {strides = array<i32>} : memref<512xf32, #tpu.memory_space<vmem>>, vector<16xf32>,
    %get3A_366 = arith.constant 384 : index
    %get3A_367 = tpu.vector_load %arg8[%get3A_366] {strides = array<i32>} : memref<512xf32, #tpu.memory_space<vmem>>, vector<16xf32>,
    %get3A_368 = vector.shape_cast %get3A_367 : vector<16xf32> to vector<16xf32>
    %get3A_369 = arith.constant 384 : index
    %get3A_370 = tpu.vector_load %arg9[%get3A_369] {strides = array<i32>} : memref<512xf32, #tpu.memory_space<vmem>>, vector<16xf32>,
    %get3A_371 = vector.shape_cast %get3A_370 : vector<16xf32> to vector<16xf32>
    %sub3A_372 = arith.subf %get3A_368, %get3A_371 : vector<16xf32>
    %swap3A_373 = arith.constant 384 : index
    %swap3A_374 = tpu.vector_load %arg10[%swap3A_373] {strides = array<i32>} : memref<512xf32, #tpu.memory_space<vmem>>, vector<16xf32>,
    %swap3A_375 = vector.shape_cast %swap3A_374 : vector<16xf32> to vector<16xf32>
    %swap3A_376 = vector.shape_cast %sub3A_372 : vector<16xf32> to vector<16xf32>
    tpu.vector_store %arg10[%swap3A_373], %swap3A_376 {strides = array<i32>} : memref<512xf32, #tpu.memory_space<vmem>>, vector<16xf32>,
    %get3A_377 = arith.constant 400 : index
    %get3A_378 = tpu.vector_load %arg8[%get3A_377] {strides = array<i32>} : memref<512xf32, #tpu.memory_space<vmem>>, vector<16xf32>,
    %get3A_379 = vector.shape_cast %get3A_378 : vector<16xf32> to vector<16xf32>
    %get3A_380 = arith.constant 400 : index
    %get3A_381 = tpu.vector_load %arg9[%get3A_380] {strides = array<i32>} : memref<512xf32, #tpu.memory_space<vmem>>, vector<16xf32>,
    %get3A_382 = vector.shape_cast %get3A_381 : vector<16xf32> to vector<16xf32>
    %sub3A_383 = arith.subf %get3A_379, %get3A_382 : vector<16xf32>
    %swap3A_384 = arith.constant 400 : index
    %swap3A_385 = tpu.vector_load %arg10[%swap3A_384] {strides = array<i32>} : memref<512xf32, #tpu.memory_space<vmem>>, vector<16xf32>,
    %swap3A_386 = vector.shape_cast %swap3A_385 : vector<16xf32> to vector<16xf32>
    %swap3A_387 = vector.shape_cast %sub3A_383 : vector<16xf32> to vector<16xf32>
    tpu.vector_store %arg10[%swap3A_384], %swap3A_387 {strides = array<i32>} : memref<512xf32, #tpu.memory_space<vmem>>, vector<16xf32>,
    %get3A_388 = arith.constant 416 : index
    %get3A_389 = tpu.vector_load %arg8[%get3A_388] {strides = array<i32>} : memref<512xf32, #tpu.memory_space<vmem>>, vector<16xf32>,
    %get3A_390 = vector.shape_cast %get3A_389 : vector<16xf32> to vector<16xf32>
    %get3A_391 = arith.constant 416 : index
    %get3A_392 = tpu.vector_load %arg9[%get3A_391] {strides = array<i32>} : memref<512xf32, #tpu.memory_space<vmem>>, vector<16xf32>,
    %get3A_393 = vector.shape_cast %get3A_392 : vector<16xf32> to vector<16xf32>
    %sub3A_394 = arith.subf %get3A_390, %get3A_393 : vector<16xf32>
    %swap3A_395 = arith.constant 416 : index
    %swap3A_396 = tpu.vector_load %arg10[%swap3A_395] {strides = array<i32>} : memref<512xf32, #tpu.memory_space<vmem>>, vector<16xf32>,
    %swap3A_397 = vector.shape_cast %swap3A_396 : vector<16xf32> to vector<16xf32>
    %swap3A_398 = vector.shape_cast %sub3A_394 : vector<16xf32> to vector<16xf32>
    tpu.vector_store %arg10[%swap3A_395], %swap3A_398 {strides = array<i32>} : memref<512xf32, #tpu.memory_space<vmem>>, vector<16xf32>,
    %get3A_399 = arith.constant 432 : index
    %get3A_400 = tpu.vector_load %arg8[%get3A_399] {strides = array<i32>} : memref<512xf32, #tpu.memory_space<vmem>>, vector<16xf32>,
    %get3A_401 = vector.shape_cast %get3A_400 : vector<16xf32> to vector<16xf32>
    %get3A_402 = arith.constant 432 : index
    %get3A_403 = tpu.vector_load %arg9[%get3A_402] {strides = array<i32>} : memref<512xf32, #tpu.memory_space<vmem>>, vector<16xf32>,
    %get3A_404 = vector.shape_cast %get3A_403 : vector<16xf32> to vector<16xf32>
    %sub3A_405 = arith.subf %get3A_401, %get3A_404 : vector<16xf32>
    %swap3A_406 = arith.constant 432 : index
    %swap3A_407 = tpu.vector_load %arg10[%swap3A_406] {strides = array<i32>} : memref<512xf32, #tpu.memory_space<vmem>>, vector<16xf32>,
    %swap3A_408 = vector.shape_cast %swap3A_407 : vector<16xf32> to vector<16xf32>
    %swap3A_409 = vector.shape_cast %sub3A_405 : vector<16xf32> to vector<16xf32>
    tpu.vector_store %arg10[%swap3A_406], %swap3A_409 {strides = array<i32>} : memref<512xf32, #tpu.memory_space<vmem>>, vector<16xf32>,
    %get3A_410 = arith.constant 448 : index
    %get3A_411 = tpu.vector_load %arg8[%get3A_410] {strides = array<i32>} : memref<512xf32, #tpu.memory_space<vmem>>, vector<16xf32>,
    %get3A_412 = vector.shape_cast %get3A_411 : vector<16xf32> to vector<16xf32>
    %get3A_413 = arith.constant 448 : index
    %get3A_414 = tpu.vector_load %arg9[%get3A_413] {strides = array<i32>} : memref<512xf32, #tpu.memory_space<vmem>>, vector<16xf32>,
    %get3A_415 = vector.shape_cast %get3A_414 : vector<16xf32> to vector<16xf32>
    %sub3A_416 = arith.subf %get3A_412, %get3A_415 : vector<16xf32>
    %swap3A_417 = arith.constant 448 : index
    %swap3A_418 = tpu.vector_load %arg10[%swap3A_417] {strides = array<i32>} : memref<512xf32, #tpu.memory_space<vmem>>, vector<16xf32>,
    %swap3A_419 = vector.shape_cast %swap3A_418 : vector<16xf32> to vector<16xf32>
    %swap3A_420 = vector.shape_cast %sub3A_416 : vector<16xf32> to vector<16xf32>
    tpu.vector_store %arg10[%swap3A_417], %swap3A_420 {strides = array<i32>} : memref<512xf32, #tpu.memory_space<vmem>>, vector<16xf32>,
    %get3A_421 = arith.constant 464 : index
    %get3A_422 = tpu.vector_load %arg8[%get3A_421] {strides = array<i32>} : memref<512xf32, #tpu.memory_space<vmem>>, vector<16xf32>,
    %get3A_423 = vector.shape_cast %get3A_422 : vector<16xf32> to vector<16xf32>
    %get3A_424 = arith.constant 464 : index
    %get3A_425 = tpu.vector_load %arg9[%get3A_424] {strides = array<i32>} : memref<512xf32, #tpu.memory_space<vmem>>, vector<16xf32>,
    %get3A_426 = vector.shape_cast %get3A_425 : vector<16xf32> to vector<16xf32>
    %sub3A_427 = arith.subf %get3A_423, %get3A_426 : vector<16xf32>
    %swap3A_428 = arith.constant 464 : index
    %swap3A_429 = tpu.vector_load %arg10[%swap3A_428] {strides = array<i32>} : memref<512xf32, #tpu.memory_space<vmem>>, vector<16xf32>,
    %swap3A_430 = vector.shape_cast %swap3A_429 : vector<16xf32> to vector<16xf32>
    %swap3A_431 = vector.shape_cast %sub3A_427 : vector<16xf32> to vector<16xf32>
    tpu.vector_store %arg10[%swap3A_428], %swap3A_431 {strides = array<i32>} : memref<512xf32, #tpu.memory_space<vmem>>, vector<16xf32>,
    %get3A_432 = arith.constant 480 : index
    %get3A_433 = tpu.vector_load %arg8[%get3A_432] {strides = array<i32>} : memref<512xf32, #tpu.memory_space<vmem>>, vector<16xf32>,
    %get3A_434 = vector.shape_cast %get3A_433 : vector<16xf32> to vector<16xf32>
    %get3A_435 = arith.constant 480 : index
    %get3A_436 = tpu.vector_load %arg9[%get3A_435] {strides = array<i32>} : memref<512xf32, #tpu.memory_space<vmem>>, vector<16xf32>,
    %get3A_437 = vector.shape_cast %get3A_436 : vector<16xf32> to vector<16xf32>
    %sub3A_438 = arith.subf %get3A_434, %get3A_437 : vector<16xf32>
    %swap3A_439 = arith.constant 480 : index
    %swap3A_440 = tpu.vector_load %arg10[%swap3A_439] {strides = array<i32>} : memref<512xf32, #tpu.memory_space<vmem>>, vector<16xf32>,
    %swap3A_441 = vector.shape_cast %swap3A_440 : vector<16xf32> to vector<16xf32>
    %swap3A_442 = vector.shape_cast %sub3A_438 : vector<16xf32> to vector<16xf32>
    tpu.vector_store %arg10[%swap3A_439], %swap3A_442 {strides = array<i32>} : memref<512xf32, #tpu.memory_space<vmem>>, vector<16xf32>,
    %get3A_443 = arith.constant 496 : index
    %get3A_444 = tpu.vector_load %arg8[%get3A_443] {strides = array<i32>} : memref<512xf32, #tpu.memory_space<vmem>>, vector<16xf32>,
    %get3A_445 = vector.shape_cast %get3A_444 : vector<16xf32> to vector<16xf32>
    %get3A_446 = arith.constant 496 : index
    %get3A_447 = tpu.vector_load %arg9[%get3A_446] {strides = array<i32>} : memref<512xf32, #tpu.memory_space<vmem>>, vector<16xf32>,
    %get3A_448 = vector.shape_cast %get3A_447 : vector<16xf32> to vector<16xf32>
    %sub3A_449 = arith.subf %get3A_445, %get3A_448 : vector<16xf32>
    %swap3A_450 = arith.constant 496 : index
    %swap3A_451 = tpu.vector_load %arg10[%swap3A_450] {strides = array<i32>} : memref<512xf32, #tpu.memory_space<vmem>>, vector<16xf32>,
    %swap3A_452 = vector.shape_cast %swap3A_451 : vector<16xf32> to vector<16xf32>
    %swap3A_453 = vector.shape_cast %sub3A_449 : vector<16xf32> to vector<16xf32>
    tpu.vector_store %arg10[%swap3A_450], %swap3A_453 {strides = array<i32>} : memref<512xf32, #tpu.memory_space<vmem>>, vector<16xf32>,
    "tpu.region"() ({
      %run_scoped3A = tpu.sem_alloc : memref<!tpu.dma_semaphore, #tpu.memory_space<semaphore_mem>>
      %dma_start3A_454 = tpu.memref_slice %arg5[%mul3A_2] : memref<16384xf32, #tpu.memory_space<hbm>> -> memref<512xf32, #tpu.memory_space<hbm>>
      %dma_start3A_455 = tpu.memref_slice %arg5[%mul3A_2] : memref<16384xf32, #tpu.memory_space<hbm>> -> memref<512xf32, #tpu.memory_space<hbm>>
      tpu.enqueue_dma source(%arg10 : memref<512xf32, #tpu.memory_space<vmem>>) target(%dma_start3A_455 : memref<512xf32, #tpu.memory_space<hbm>>) target_semaphore(%run_scoped3A : memref<!tpu.dma_semaphore, #tpu.memory_space<semaphore_mem>>)
      %dma_wait3A_456 = tpu.memref_slice %arg5[%mul3A_2] : memref<16384xf32, #tpu.memory_space<hbm>> -> memref<512xf32, #tpu.memory_space<hbm>>
      %dma_wait3A_457 = tpu.memref_slice %arg5[%mul3A_2] : memref<16384xf32, #tpu.memory_space<hbm>> -> memref<512xf32, #tpu.memory_space<hbm>>
      tpu.wait_dma2 semaphore(%run_scoped3A : memref<!tpu.dma_semaphore, #tpu.memory_space<semaphore_mem>>) src(%arg10 : memref<512xf32, #tpu.memory_space<vmem>>) dst(%dma_wait3A_457 : memref<512xf32, #tpu.memory_space<hbm>>)
      tpu.yield
    }) : () -> ()
    return
  }
}

module attributes {stable_mosaic.version = 14 : i64} {
  func.func @_mv_body(%arg0: i32, %arg1: memref<1x128xf32, #tpu.memory_space<vmem>>, %arg2: memref<3072x128xf32, #tpu.memory_space<vmem>>, %arg3: memref<3072x128xf32, #tpu.memory_space<vmem>>, %arg4: memref<3072x128xf32, #tpu.memory_space<vmem>>, %arg5: memref<9216xf32, #tpu.memory_space<vmem>>) attributes {dimension_semantics = [#tpu.dimension_semantics<arbitrary>], iteration_bounds = array<i64: 11>, scalar_prefetch = 0 : i64, scratch_operands = 0 : i64, tpu.core_type = #tpu.core_type<tc>, window_params = [{pipeline_mode = #tpu.pipeline_mode<synchronous>, transform_indices = @transform_0, window_bounds = array<i64: 1, 128>}, {transform_indices = @transform_1, window_bounds = array<i64: 3072, 128>}, {transform_indices = @transform_2, window_bounds = array<i64: 3072, 128>}, {transform_indices = @transform_3, window_bounds = array<i64: 3072, 128>}, {transform_indices = @transform_4, window_bounds = array<i64: 9216>}]} {
    %get3A = arith.constant 0 : index
    %get3A_0 = arith.constant 0 : index
    %get3A_1 = vector.load %arg1[%get3A, %get3A_0] : memref<1x128xf32, #tpu.memory_space<vmem>>, vector<1x128xf32>
    %get3A_2 = arith.constant 0 : index
    %get3A_3 = arith.constant 0 : index
    %get3A_4 = vector.load %arg2[%get3A_2, %get3A_3] : memref<3072x128xf32, #tpu.memory_space<vmem>>, vector<3072x128xf32>
    %dot_general3A = arith.constant dense<0.000000e+00> : vector<1x3072xf32>
    %dot_general3A_5 = tpu.matmul %get3A_1, %get3A_4, %dot_general3A {dimension_numbers = #tpu.dot_dimension_numbers<[1], [1], [0], [0], [0, 0, 1, 0], [], []>, transpose_lhs_hint = false} : vector<1x128xf32>, vector<3072x128xf32>, vector<1x3072xf32> -> vector<1x3072xf32>
    %squeeze3A = vector.shape_cast %dot_general3A_5 : vector<1x3072xf32> to vector<3072xf32>
    %swap3A = arith.constant 0 : index
    %swap3A_6 = vector.load %arg5[%swap3A] : memref<9216xf32, #tpu.memory_space<vmem>>, vector<3072xf32>
    tpu.vector_store %arg5[%swap3A], %squeeze3A {strides = array<i32>} : memref<9216xf32, #tpu.memory_space<vmem>>, vector<3072xf32>,
    %get3A_7 = arith.constant 0 : index
    %get3A_8 = arith.constant 0 : index
    %get3A_9 = vector.load %arg1[%get3A_7, %get3A_8] : memref<1x128xf32, #tpu.memory_space<vmem>>, vector<1x128xf32>
    %get3A_10 = arith.constant 0 : index
    %get3A_11 = arith.constant 0 : index
    %get3A_12 = vector.load %arg3[%get3A_10, %get3A_11] : memref<3072x128xf32, #tpu.memory_space<vmem>>, vector<3072x128xf32>
    %dot_general3A_13 = arith.constant dense<0.000000e+00> : vector<1x3072xf32>
    %dot_general3A_14 = tpu.matmul %get3A_9, %get3A_12, %dot_general3A_13 {dimension_numbers = #tpu.dot_dimension_numbers<[1], [1], [0], [0], [0, 0, 1, 0], [], []>, transpose_lhs_hint = false} : vector<1x128xf32>, vector<3072x128xf32>, vector<1x3072xf32> -> vector<1x3072xf32>
    %squeeze3A_15 = vector.shape_cast %dot_general3A_14 : vector<1x3072xf32> to vector<3072xf32>
    %swap3A_16 = arith.constant 3072 : index
    %swap3A_17 = vector.load %arg5[%swap3A_16] : memref<9216xf32, #tpu.memory_space<vmem>>, vector<3072xf32>
    tpu.vector_store %arg5[%swap3A_16], %squeeze3A_15 {strides = array<i32>} : memref<9216xf32, #tpu.memory_space<vmem>>, vector<3072xf32>,
    %get3A_18 = arith.constant 0 : index
    %get3A_19 = arith.constant 0 : index
    %get3A_20 = vector.load %arg1[%get3A_18, %get3A_19] : memref<1x128xf32, #tpu.memory_space<vmem>>, vector<1x128xf32>
    %get3A_21 = arith.constant 0 : index
    %get3A_22 = arith.constant 0 : index
    %get3A_23 = vector.load %arg4[%get3A_21, %get3A_22] : memref<3072x128xf32, #tpu.memory_space<vmem>>, vector<3072x128xf32>
    %dot_general3A_24 = arith.constant dense<0.000000e+00> : vector<1x3072xf32>
    %dot_general3A_25 = tpu.matmul %get3A_20, %get3A_23, %dot_general3A_24 {dimension_numbers = #tpu.dot_dimension_numbers<[1], [1], [0], [0], [0, 0, 1, 0], [], []>, transpose_lhs_hint = false} : vector<1x128xf32>, vector<3072x128xf32>, vector<1x3072xf32> -> vector<1x3072xf32>
    %squeeze3A_26 = vector.shape_cast %dot_general3A_25 : vector<1x3072xf32> to vector<3072xf32>
    %swap3A_27 = arith.constant 6144 : index
    %swap3A_28 = vector.load %arg5[%swap3A_27] : memref<9216xf32, #tpu.memory_space<vmem>>, vector<3072xf32>
    tpu.vector_store %arg5[%swap3A_27], %squeeze3A_26 {strides = array<i32>} : memref<9216xf32, #tpu.memory_space<vmem>>, vector<3072xf32>,
    return
  }
  func.func @transform_0(%arg0: i32) -> (i32, i32) {
    %c0_i32 = arith.constant 0 : i32
    %c0_i32_0 = arith.constant 0 : i32
    %c0_i32_1 = arith.constant 0 : i32
    return %c0_i32, %c0_i32_0 : i32, i32
  }
  func.func @transform_1(%arg0: i32) -> (i32, i32) {
    %mul3A = arith.constant 3 : i32
    %mul3A_0 = arith.muli %arg0, %mul3A : i32
    %add3A = arith.constant 0 : i32
    %add3A_1 = arith.addi %add3A, %mul3A_0 : i32
    %add3A_2 = arith.constant 0 : i32
    %add3A_3 = arith.addi %add3A_1, %add3A_2 : i32
    %c0_i32 = arith.constant 0 : i32
    %c0_i32_4 = arith.constant 0 : i32
    return %add3A_3, %c0_i32 : i32, i32
  }
  func.func @transform_2(%arg0: i32) -> (i32, i32) {
    %mul3A = arith.constant 3 : i32
    %mul3A_0 = arith.muli %arg0, %mul3A : i32
    %add3A = arith.constant 0 : i32
    %add3A_1 = arith.addi %add3A, %mul3A_0 : i32
    %add3A_2 = arith.constant 1 : i32
    %add3A_3 = arith.addi %add3A_1, %add3A_2 : i32
    %c0_i32 = arith.constant 0 : i32
    %c0_i32_4 = arith.constant 0 : i32
    return %add3A_3, %c0_i32 : i32, i32
  }
  func.func @transform_3(%arg0: i32) -> (i32, i32) {
    %mul3A = arith.constant 3 : i32
    %mul3A_0 = arith.muli %arg0, %mul3A : i32
    %add3A = arith.constant 0 : i32
    %add3A_1 = arith.addi %add3A, %mul3A_0 : i32
    %add3A_2 = arith.constant 2 : i32
    %add3A_3 = arith.addi %add3A_1, %add3A_2 : i32
    %c0_i32 = arith.constant 0 : i32
    %c0_i32_4 = arith.constant 0 : i32
    return %add3A_3, %c0_i32 : i32, i32
  }
  func.func @transform_4(%arg0: i32) -> i32 {
    %c0_i32 = arith.constant 0 : i32
    return %arg0 : i32
  }
}

module attributes {stable_mosaic.version = 14 : i64} {
  func.func @_loss_body(%arg0: memref<128x128xf32, #tpu.memory_space<vmem>>, %arg1: memref<1x1xf32, #tpu.memory_space<smem>>) attributes {dimension_semantics = [], scalar_prefetch = 0 : i64, scratch_operands = 0 : i64, tpu.core_type = #tpu.core_type<tc>} {
    %get3A = arith.constant 0 : index
    %get3A_0 = arith.constant 0 : index
    %get3A_1 = vector.load %arg0[%get3A, %get3A_0] : memref<128x128xf32, #tpu.memory_space<vmem>>, vector<128x128xf32>
    %min3A = arith.constant 0.000000e+00 : f32
    %min3A_2 = vector.broadcast %min3A : f32 to vector<128x128xf32>
    %min3A_3 = arith.minimumf %get3A_1, %min3A_2 : vector<128x128xf32>
    %abs3A = math.absf %get3A_1 : vector<128x128xf32>
    %neg3A = arith.constant 0.000000e+00 : f32
    %neg3A_4 = vector.broadcast %neg3A : f32 to vector<128x128xf32>
    %neg3A_5 = arith.subf %neg3A_4, %abs3A : vector<128x128xf32>
    %exp3A = math.exp %neg3A_5 : vector<128x128xf32>
    %log1p3A = math.log1p %exp3A : vector<128x128xf32>
    %sub3A = arith.subf %min3A_3, %log1p3A : vector<128x128xf32>
    %reduce_sum3A = vector.shape_cast %sub3A : vector<128x128xf32> to vector<1x128x128xf32>
    %reduce_sum3A_6 = arith.constant dense<0.000000e+00> : vector<1xf32>
    %reduce_sum3A_7 = vector.multi_reduction <add>, %reduce_sum3A, %reduce_sum3A_6 [1, 2] : vector<1x128x128xf32> to vector<1xf32>
    %reduce_sum3A_8 = vector.shape_cast %reduce_sum3A_7 : vector<1xf32> to vector<1x1x1xf32>
    %reduce_sum3A_9 = vector.extract %reduce_sum3A_8[0, 0, 0] : f32 from vector<1x1x1xf32>
    %neg3A_10 = arith.constant 0.000000e+00 : f32
    %neg3A_11 = arith.subf %neg3A_10, %reduce_sum3A_9 : f32
    %swap3A = arith.constant 0 : index
    %swap3A_12 = arith.constant 0 : index
    %swap3A_13 = memref.load %arg1[%swap3A, %swap3A_12] : memref<1x1xf32, #tpu.memory_space<smem>>
    memref.store %neg3A_11, %arg1[%swap3A, %swap3A_12] : memref<1x1xf32, #tpu.memory_space<smem>>
    return
  }
}

</mosaic_0001>

<sc_bundles>
// kernel: kernel.5.cloned.1.call-start
scs
__scs_entry_jumppad:
0x0: {  	(pc) =	sbr.rel $0x88, $3  }
0x1: {  	(tag) =	ssettag $0x0;
	lr =	simm.s32 $0x1  }
0x2: {  	[smem:$0x3F9D] =	sst lr;
	_ =	strace $0xD0000000  }
0x3: {  	_ = 	snop  }
0x4: {  	_ = 	snop  }
0x5: {  	_ = 	snop  }
0x6: {  	_ = 	snop  }
0x7: {  	_ = 	snop  }
__scs_overlays_trampoline_lowered:
0x8: {  	[smem:$0x3FAC] =	sst s0  }
0x9: {  	[smem:$0x3FAD] =	sst s1  }
0xa: {  	[smem:$0x3FAE] =	sst s2  }
0xb: {  	[smem:$0x3FAF] =	sst s3  }
0xc: {  	[smem:$0x3FB0] =	sst s4  }
0xd: {  	[smem:$0x3FB1] =	sst s5  }
0xe: {  	[smem:$0x3FB2] =	sst s6  }
0xf: {  	[smem:$0x3FB3] =	sst s7  }
0x10: {  	[smem:$0x3FB4] =	sst s8  }
0x11: {  	[smem:$0x3FB5] =	sst s9;
	s0 =	simm.s32 @!p0 $0x0  }
0x12: {  	s1 =	sld [smem:$0x3F9B];
	s0 =	simm.s32 @p0 $0x1  }
0x13: {  	[smem:$0x3FB6] =	sst s0;
	s0 =	simm.s32 @!p1 $0x0  }
0x14: {  	s2 =	sld [smem:$0x3F9A];
	s0 =	simm.s32 @p1 $0x1  }
0x15: {  	[smem:$0x3FB7] =	sst s0;
	s0 =	simm.s32 @!p2 $0x0  }
0x16: {  	s3 =	sld [smem:$0x3FDB];
	s0 =	simm.s32 @p2 $0x1  }
0x17: {  	s4 =	simm.s32 $0x1BF5;
	[smem:$0x3FB9] =	sst s0  }
0x18: {  	s0 =	sld [smem:$0x3F9C];
	_ =	swait.ge [sflag:s4], $0x0  }
0x19: {  	s7 =	sld [smem:$0x3F9D]  }
0x1a: {  	s8 =	sadd.s32 $0xFFFFE003, lr  }
0x1b: {  	s9 =	sadd.s32 $0xFFFFFEF7, lr;
	s5 =	simm.s32 $0xFFFFFFFF;
	p2 =	slt.u32 s8, $0xFFFFF086  }
0x1c: {  	p1 =	slt.u32 s9, $0xF7A;
	s5 =	simm.s32 @!p2 $0x0  }
0x1d: {  	s5 =	simm.s32 @p1 $0x1;
	p0 =	seq.s32 s7, s2  }
0x1e: {  	s7 =	smul.u32 @!p0 $0xF7A, s2;
	p2 =	seq.s32 @!p0 s5, $0x0  }
0x1f: {  	s9 =	smul.u32 $0xF7A, s1;
	s8 =	simm.s32 @!p0 $0x1BF5;
	p2 =	por !p2, p0  }
0x20: {  	[sflag:s8] =	ssyncset.s32 @!p0 $0xFFFFF086;
	s6 =	sadd.s32 @!p0 s3, s7;
	s7 =	simm.s32 @!p0 $0x108  }
0x21: {  	s3 =	sadd.s32 s3, s9;
	s6 =	sadd.s32 @!p0 $0x88, s6;
	s7 =	simm.s32 @p2 $0x1082  }
0x22: {  	[simem:s7], [sflag:s8] =	dma.local @!p0 [hbm:s6], $0xF7A  }
0x23: {  	s9 =	sor.u32 $0xD0000000, s2;
	s6 =	simm.s32 $0x108;
	_ =	swait.ge @!p0 [sflag:s8], $0x0  }
0x24: {  	s3 =	sadd.s32 $0x88, s3;
	s6 =	simm.s32 @!p1 $0x1082;
	[sflag:s4] =	ssyncset.s32 $0xFFFFF086  }
0x25: {  	[simem:s6], [sflag:s4] =	dma.local [hbm:s3], $0xF7A  }
0x26: {  	[smem:$0x3F9D] =	sst s1;
	(tag) =	ssettag s2;
	_ =	strace s9  }
0x27: {  	s1 =	sld [smem:$0x3FAD]  }
0x28: {  	s2 =	sld [smem:$0x3FAE]  }
0x29: {  	s4 =	sld [smem:$0x3FB0]  }
0x2a: {  	p0 =	seq.s32 s5, $0x0;
	s5 =	sld [smem:$0x3FB1]  }
0x2b: {  	s6 =	sld [smem:$0x3FB2]  }
0x2c: {  	s7 =	sld [smem:$0x3FB3]  }
0x2d: {  	s3 =	simm.s32 $0x108;
	s8 =	sld [smem:$0x3FB4]  }
0x2e: {  	s3 =	simm.s32 @!p0 $0x1082;
	s9 =	sld [smem:$0x3FB5]  }
0x2f: {  	lr =	sadd.s32 s0, s3;
	s0 =	sld [smem:$0x3FAC]  }
0x30: {  	s3 =	sld [smem:$0x3FAF]  }
0x31: {  	[smem:$0x3FB8] =	sst s10  }
0x32: {  	s10 =	sld [smem:$0x3FB6];
	_ =	sdelay $0x3  }
0x33: {  	p0 =	seq.s32 s10, $0x1;
	s10 =	sld [smem:$0x3FB8];
	_ =	sdelay $0x3  }
0x34: {  	[smem:$0x3FB8] =	sst s10  }
0x35: {  	s10 =	sld [smem:$0x3FB7];
	_ =	sdelay $0x3  }
0x36: {  	p1 =	seq.s32 s10, $0x1;
	s10 =	sld [smem:$0x3FB8];
	_ =	sdelay $0x3  }
0x37: {  	[smem:$0x3FB8] =	sst s10  }
0x38: {  	s10 =	sld [smem:$0x3FB9]  }
0x39: {  	_ = 	snop;
	(pc) =	sbr.ind lr, $3  }
0x3a: {  	_ = 	snop  }
0x3b: {  	_ = 	snop  }
0x3c: {  	p2 =	seq.s32 s10, $0x1;
	s10 =	sld [smem:$0x3FB8]  }
0x3d: {  	_ =	shalt  }
0x3e: {  	_ =	shalt  }
0x3f: {  	_ =	shalt  }
0x40: {  	_ =	shalt  }
0x41: {  	_ =	shalt  }
0x42: {  	_ =	shalt  }
0x43: {  	_ =	shalt  }
0x44: {  	_ =	shalt  }
0x45: {  	_ =	shalt  }
0x46: {  	_ =	shalt  }
0x47: {  	_ =	shalt  }
0x48: {  	_ =	shalt  }
0x49: {  	_ =	shalt  }
0x4a: {  	_ =	shalt  }
0x4b: {  	_ =	shalt  }
0x4c: {  	_ =	shalt  }
0x4d: {  	_ =	shalt  }
0x4e: {  	_ =	shalt  }
0x4f: {  	_ =	shalt  }
0x50: {  	_ =	shalt  }
0x51: {  	_ =	shalt  }
0x52: {  	_ =	shalt  }
0x53: {  	_ =	shalt  }
0x54: {  	_ =	shalt  }
0x55: {  	_ =	shalt  }
0x56: {  	_ =	shalt  }
0x57: {  	_ =	shalt  }
0x58: {  	_ =	shalt  }
0x59: {  	_ =	shalt  }
0x5a: {  	_ =	shalt  }
0x5b: {  	_ =	shalt  }
0x5c: {  	_ =	shalt  }
0x5d: {  	_ =	shalt  }
0x5e: {  	_ =	shalt  }
0x5f: {  	_ =	shalt  }
0x60: {  	_ =	shalt  }
0x61: {  	_ =	shalt  }
0x62: {  	_ =	shalt  }
0x63: {  	_ =	shalt  }
0x64: {  	_ =	shalt  }
0x65: {  	_ =	shalt  }
0x66: {  	_ =	shalt  }
0x67: {  	_ =	shalt  }
0x68: {  	_ =	shalt  }
0x69: {  	_ =	shalt  }
0x6a: {  	_ =	shalt  }
0x6b: {  	_ =	shalt  }
0x6c: {  	_ =	shalt  }
0x6d: {  	_ =	shalt  }
0x6e: {  	_ =	shalt  }
0x6f: {  	_ =	shalt  }
0x70: {  	_ =	shalt  }
0x71: {  	_ =	shalt  }
0x72: {  	_ =	shalt  }
0x73: {  	_ =	shalt  }
0x74: {  	_ =	shalt  }
0x75: {  	_ =	shalt  }
0x76: {  	_ =	shalt  }
0x77: {  	_ =	shalt  }
0x78: {  	_ =	shalt  }
0x79: {  	_ =	shalt  }
0x7a: {  	_ =	shalt  }
0x7b: {  	_ =	shalt  }
0x7c: {  	_ =	shalt  }
0x7d: {  	_ =	shalt  }
0x7e: {  	_ =	shalt  }
0x7f: {  	_ =	shalt  }
0x80: {  	_ =	shalt  }
0x81: {  	_ =	shalt  }
0x82: {  	_ =	shalt  }
0x83: {  	_ =	shalt  }
0x84: {  	_ =	shalt  }
0x85: {  	_ =	shalt  }
0x86: {  	_ =	shalt  }
0x87: {  	_ =	shalt  }
.Lfunc_end0:
.L_simem_size_0:
called_computation_lowered:
.L_overlay_start_0:
0x88: {  	s2 =	sld [smem:$0x3FD9]  }
0x89: {  	s3 =	sld [smem:$0x3FFE];
	_ =	sdelay $0x1  }
0x8a: {  	s1 =	srdreg.scid  }
0x8b: {  	s0 =	sand.u32 $0x1, s1  }
0x8c: {  	s17 =	sshll.u32 s0, $0xA;
	s2 =	sadd.s32 s3, s2  }
0x8d: {  	s2 =	sadd.s32 s2, s17  }
0x8e: {  	[smem:$0x3FC4] =	sst s2  }
0x8f: {  	_ = 	snop  }
0x90: {  	s2 =	sld [smem:$0x3FC9]  }
0x91: {  	s18 =	sld [smem:$0x3FC8];
	(tm) =	ssettm $0x1  }
0x92: {  	s4 =	sld [smem:$0x3FFB];
	_ =	sdelay $0x3  }
0x93: {  	_ =	strace s4  }
0x94: {  	s4 =	sld [smem:$0x3FFC];
	_ =	sdelay $0x3  }
0x95: {  	_ =	strace s4  }
0x96: {  	s4 =	sld [smem:$0x3FFD];
	_ =	sdelay $0x3  }
0x97: {  	_ =	strace s4  }
0x98: {  	_ =	strace $0x8FFFFFFF  }
0x99: {  	s19 =	sld [smem:$0x3FDB];
	_ =	sdelay $0x1  }
0x9a: {  	s5 =	simm.s32 $_scs_section_size  }
0x9b: {  	s6 =	simm.s32 $_size__tile_overlayer_lowered;
	s7 =	simm.s32 $_tile_overlayer_lowered  }
0x9c: {  	s22 =	simm.s32 $0x1BFF;
	s21 =	sshll.u32 s7, $0x1;
	s4 =	sadd.s32 s5, s19  }
0x9d: {  	s8 =	simm.s32 $0x0;
	s20 =	sshll.u32 s6, $0x1;
	s6 =	sadd.s32 s21, s4  }
0x9e: {  	[timem:s8], [sflag:s22] =	dma.local [hbm:s6], s20  }
0x9f: {  	_ =	swait.ge [sflag:s22], s20  }
0xa0: {  	s5 =	ssub.s32 $0x0, s20;
	[sflag:s22] =	ssyncset.done $0x0  }
0xa1: {  	[sflag:s22] =	ssyncadd.s32 s5;
	_ =	sdelay $0x1  }
0xa2: {  	s23 =	simm.s32 $0x1B8B  }
0xa3: {  	_ =	swait.ge [sflag:s23], $0x1  }
0xa4: {  	[sflag:s23] =	ssyncset.done $0x0  }
0xa5: {  	s25 =	simm.s32 $0x1B8E;
	s24 =	sld [smem:$0x3FFE];
	[sflag:s23] =	ssyncadd.s32 $0xFFFFFFFF  }
0xa6: {  	s26 =	simm.s32 $execute0_lowered;
	[smem:$0x3FD2] =	sst s25  }
0xa7: {  	s6 =	sshll.u32 s26, $0x1;
	_ =	strace $0x80000046;
	[dreg:$0x1] =	wrdreg $0xFFFFFFFF  }
0xa8: {  	s28 =	simm.s32 $_size_execute0_lowered;
	s4 =	sadd.s32 s4, s6;
	[dreg:$0x0] =	wrdreg $0x0  }
0xa9: {  	s6 =	sshll.u32 s28, $0x1;
	[dreg:$0x2] =	wrdreg s4  }
0xaa: {  	[dreg:$0x3] =	wrdreg s6  }
0xab: {  	[dreg:$0x4] =	wrdreg $0xC0  }
0xac: {  	_ =	task [dreg:s8], $0x5FFFF  }
0xad: {  	[dreg:$0x1] =	wrdreg $0xFFFFFFFF  }
0xae: {  	[dreg:$0x0] =	wrdreg $0x60  }
0xaf: {  	[dreg:$0x2] =	wrdreg s24  }
0xb0: {  	[dreg:$0x3] =	wrdreg s2  }
0xb1: {  	[dreg:$0x4] =	wrdreg s18  }
0xb2: {  	[dreg:$0x5] =	wrdreg $0x9  }
0xb3: {  	_ =	task.clear_ibuf [dreg:s8], $0x6FFFF;
	_ =	strace $0x90000046  }
0xb4: {  	s29 =	simm.s32 $0x9;
	_ =	strace $0x80000048  }
0xb5: {  	_ =	swait.ge [sflag:s29], $0x1  }
0xb6: {  	[sflag:s29] =	ssyncadd.s32 $0xFFFFFFFF  }
0xb7: {  	_ =	strace $0x90000048  }
0xb8: {  	_ =	sfence  }
0xb9: {  	s30 =	sld [smem:$0x0];
	_ =	sdelay $0x2  }
0xba: {  	s31 =	sshll.u32 s1, $0xD;
	s1 =	sshrl.u32 s1, $0x2  }
0xbb: {  	s3 =	sand.u32 $0x4000, s31;
	s1 =	sadd.s32 s1, s30  }
0xbc: {  	s0 =	sor.u32 s3, s0;
	s1 =	sshll.u32 s1, $0x11  }
0xbd: {  	s0 =	sor.u32 s1, s0  }
0xbe: {  	s0 =	sadd.s32 $0x8F2B, s0  }
0xbf: {  	[sflag:s0] =	ssyncadd.remote.s32 $0x1  }
0xc0: {  	_ =	sfence.sel $0xFFFF  }
0xc1: {  	[dreg:$0x0] =	wrdreg $0xFFFFFFFF;
	(pc) =	sbr.abs _section_cstart, $3  }
0xc2: {  	[dreg:$0x1] =	wrdreg $0xFFFFFFFF  }
0xc3: {  	_ =	task.clear_ibuf [dreg:s8], $0x2FFFF;
	_ =	strace $0x9FFFFFFF  }
0xc4: {  	(tm) =	ssettm $0x7FFFFFFF  }
0xc5: {  	_ =	shalt  }
tec
execute0_lowered:
.L_overlay_start_1:
0x0: {  	(tag) =	ssettag $0x1  }
0x1: {  	s4 =	rddreg [dreg:$0x0]  }
0x2: {  	s5 =	rddreg [dreg:$0x1]  }
0x3: {  	s6 =	rddreg [dreg:$0x2]  }
0x4: {  	s0 =	rddreg [dreg:$0x3]  }
0x5: {  	s2 =	simm.s32 $0x0;
	s3 =	srdreg.scid;
	s1 =	stileid.u32  }
0x6: {  	s11 =	simm.s32 $0x400;
	s12 =	simm.s32 $0x600;
	s13 =	simm.s32 $0x480  }
0x7: {  	s14 =	simm.s32 $0x280;
	s15 =	simm.s32 $0x680;
	s16 =	simm.s32 $0x100  }
0x8: {  	s17 =	simm.s32 $0x500;
	s18 =	simm.s32 $0x300;
	s19 =	simm.s32 $0x700  }
0x9: {  	s20 =	simm.s32 $0x180;
	s21 =	simm.s32 $0x580;
	s22 =	simm.s32 $0x380  }
0xa: {  	s23 =	simm.s32 $0x780;
	s24 =	simm.s32 $0x800;
	s25 =	simm.s32 $0x2  }
0xb: {  	[smem:$0x7FF] =	sst s2;
	s3 =	sand.u32 $0x1, s3;
	s7 =	sshll.u32 s1, $0x7  }
0xc: {  	_ =	strace $0x80000047;
	s8 =	sshll.u32 s3, $0x6;
	s9 =	ssub.s32 $0x2, s3  }
0xd: {  	s3 =	sadd.s32 $0xA00, s4;
	s7 =	sor.u32 s8, s7;
	s31 =	sshrl.u32 s9, $0x1  }
0xe: {  	s10 =	sadd.s32 s7, s4;
	s8 =	ssub.s32 s9, s31;
	s4 =	sadd.s32 s5, s7  }
0xf: {  	s5 =	sadd.s32 s6, s7;
	s9 =	simm.s32 $0x1;
	s6 =	sadd.s32 $0x3C00, s10  }
0x10: {  	s7 =	smax.u32 s8, $0x1;
	s8 =	simm.s32 $0x200;
	s10 =	simm.s32 $0x80  }
.LBB2_1:
0x11: {  	[tilespmem:s2], [sflag:$0x1] =	stream.linear.gather [hbm4b:s4+s2], $0x200, $0x38;
	[tilespmem:$0xA00] =	vst v63  }
0x12: {  	_ = 	snop  }
0x13: {  	[tilespmem:s8], [sflag:$0x1] =	stream.linear.gather [hbm4b:s5+s2], $0x200, $0x38;
	[tilespmem:$0xA00] =	vst v63  }
0x14: {  	_ =	swait.ge [sflag:s9], $0x200  }
0x15: {  	[sflag:s9] =	ssyncset.done $0x0  }
0x16: {  	[sflag:s9] =	ssyncadd.s32 $0xFFFFFE00  }
0x17: {  	_ =	swait.ge [sflag:s9], $0x200  }
0x18: {  	[sflag:s9] =	ssyncset.done $0x0  }
0x19: {  	[sflag:s9] =	ssyncadd.s32 $0xFFFFFE00  }
0x1a: {  	[tilespmem:s11], [sflag:$0x1] =	stream.indirect.gather [hbm4b:s3+s10], $0x1, s2, s10, $0xb8;
	[tilespmem:$0xA00] =	vst v63  }
0x1b: {  	_ = 	snop  }
0x1c: {  	[tilespmem:s12], [sflag:$0x1] =	stream.indirect.gather [hbm4b:s3+s10], $0x1, s8, s10, $0xb8;
	[tilespmem:$0xA00] =	vst v63  }
0x1d: {  	_ = 	snop  }
0x1e: {  	[tilespmem:s13], [sflag:$0x1] =	stream.indirect.gather [hbm4b:s3+s10], $0x1, s10, s10, $0xb8;
	[tilespmem:$0xA00] =	vst v63  }
0x1f: {  	_ = 	snop  }
0x20: {  	[tilespmem:s15], [sflag:$0x1] =	stream.indirect.gather [hbm4b:s3+s10], $0x1, s14, s10, $0xb8;
	[tilespmem:$0xA00] =	vst v63  }
0x21: {  	_ = 	snop  }
0x22: {  	[tilespmem:s17], [sflag:$0x1] =	stream.indirect.gather [hbm4b:s3+s10], $0x1, s16, s10, $0xb8;
	[tilespmem:$0xA00] =	vst v63  }
0x23: {  	_ = 	snop  }
0x24: {  	[tilespmem:s19], [sflag:$0x1] =	stream.indirect.gather [hbm4b:s3+s10], $0x1, s18, s10, $0xb8;
	[tilespmem:$0xA00] =	vst v63  }
0x25: {  	_ = 	snop  }
0x26: {  	[tilespmem:s21], [sflag:$0x1] =	stream.indirect.gather [hbm4b:s3+s10], $0x1, s20, s10, $0xb8;
	[tilespmem:$0xA00] =	vst v63  }
0x27: {  	_ = 	snop  }
0x28: {  	[tilespmem:s23], [sflag:$0x1] =	stream.indirect.gather [hbm4b:s3+s10], $0x1, s22, s10, $0xb8;
	[tilespmem:$0xA00] =	vst v63  }
0x29: {  	_ =	swait.ge [sflag:s9], $0x80  }
0x2a: {  	[sflag:s9] =	ssyncset.done $0x0  }
0x2b: {  	[sflag:s9] =	ssyncadd.s32 $0xFFFFFF80  }
0x2c: {  	_ =	swait.ge [sflag:s9], $0x80  }
0x2d: {  	[sflag:s9] =	ssyncset.done $0x0  }
0x2e: {  	[sflag:s9] =	ssyncadd.s32 $0xFFFFFF80  }
0x2f: {  	_ =	swait.ge [sflag:s9], $0x80  }
0x30: {  	[sflag:s9] =	ssyncset.done $0x0  }
0x31: {  	[sflag:s9] =	ssyncadd.s32 $0xFFFFFF80  }
0x32: {  	_ =	swait.ge [sflag:s9], $0x80  }
0x33: {  	[sflag:s9] =	ssyncset.done $0x0  }
0x34: {  	[sflag:s9] =	ssyncadd.s32 $0xFFFFFF80  }
0x35: {  	_ =	swait.ge [sflag:s9], $0x80  }
0x36: {  	[sflag:s9] =	ssyncset.done $0x0  }
0x37: {  	[sflag:s9] =	ssyncadd.s32 $0xFFFFFF80  }
0x38: {  	_ =	swait.ge [sflag:s9], $0x80  }
0x39: {  	[sflag:s9] =	ssyncset.done $0x0  }
0x3a: {  	[sflag:s9] =	ssyncadd.s32 $0xFFFFFF80  }
0x3b: {  	_ =	swait.ge [sflag:s9], $0x80  }
0x3c: {  	[sflag:s9] =	ssyncset.done $0x0  }
0x3d: {  	[sflag:s9] =	ssyncadd.s32 $0xFFFFFF80  }
0x3e: {  	_ =	swait.ge [sflag:s9], $0x80  }
0x3f: {  	[sflag:s9] =	ssyncset.done $0x0  }
0x40: {  	[sflag:s9] =	ssyncadd.s32 $0xFFFFFF80  }
0x41: {  	v0 =	vld [tilespmem:$0x400]  }
0x42: {  	v1 =	vld [tilespmem:$0x600]  }
0x43: {  	v2 =	vld [tilespmem:$0x410]  }
0x44: {  	v3 =	vld [tilespmem:$0x610]  }
0x45: {  	v4 =	vld [tilespmem:$0x420]  }
0x46: {  	v5 =	vld [tilespmem:$0x620]  }
0x47: {  	v6 =	vld [tilespmem:$0x430]  }
0x48: {  	v7 =	vld [tilespmem:$0x630]  }
0x49: {  	v8 =	vld [tilespmem:$0x440]  }
0x4a: {  	v9 =	vld [tilespmem:$0x640]  }
0x4b: {  	v10 =	vld [tilespmem:$0x450]  }
0x4c: {  	v11 =	vld [tilespmem:$0x650]  }
0x4d: {  	v12 =	vld [tilespmem:$0x460]  }
0x4e: {  	v13 =	vld [tilespmem:$0x660]  }
0x4f: {  	v14 =	vld [tilespmem:$0x470]  }
0x50: {  	v15 =	vld [tilespmem:$0x670]  }
0x51: {  	v16 =	vld [tilespmem:$0x480]  }
0x52: {  	v17 =	vld [tilespmem:$0x680]  }
0x53: {  	v18 =	vld [tilespmem:$0x490]  }
0x54: {  	v19 =	vld [tilespmem:$0x690]  }
0x55: {  	v20 =	vld [tilespmem:$0x4A0]  }
0x56: {  	v21 =	vld [tilespmem:$0x6A0]  }
0x57: {  	v22 =	vld [tilespmem:$0x4B0]  }
0x58: {  	v23 =	vld [tilespmem:$0x6B0]  }
0x59: {  	v24 =	vld [tilespmem:$0x4C0]  }
0x5a: {  	v25 =	vld [tilespmem:$0x6C0]  }
0x5b: {  	v26 =	vld [tilespmem:$0x4D0]  }
0x5c: {  	v27 =	vld [tilespmem:$0x6D0]  }
0x5d: {  	v28 =	vld [tilespmem:$0x4E0]  }
0x5e: {  	v29 =	vld [tilespmem:$0x6E0]  }
0x5f: {  	v30 =	vld [tilespmem:$0x4F0]  }
0x60: {  	v31 =	vld [tilespmem:$0x6F0]  }
0x61: {  	v32 =	vld [tilespmem:$0x500]  }
0x62: {  	v33 =	vld [tilespmem:$0x700]  }
0x63: {  	v34 =	vld [tilespmem:$0x510]  }
0x64: {  	v35 =	vld [tilespmem:$0x710]  }
0x65: {  	v36 =	vld [tilespmem:$0x520]  }
0x66: {  	v46 =	vld [tilespmem:$0x720];
	v0 =	vsub.f32 v0, v1  }
0x67: {  	v47 =	vld [tilespmem:$0x530];
	v2 =	vsub.f32 v2, v3  }
0x68: {  	v49 =	vld [tilespmem:$0x730];
	v48 =	vsub.f32 v4, v5;
	[tilespmem:$0x800] =	vst v0  }
0x69: {  	v51 =	vld [tilespmem:$0x540];
	v50 =	vsub.f32 v6, v7;
	[tilespmem:$0x810] =	vst v2  }
0x6a: {  	v53 =	vld [tilespmem:$0x740];
	v52 =	vsub.f32 v8, v9;
	[tilespmem:$0x820] =	vst v48  }
0x6b: {  	v55 =	vld [tilespmem:$0x550];
	v54 =	vsub.f32 v10, v11;
	[tilespmem:$0x830] =	vst v50  }
0x6c: {  	v57 =	vld [tilespmem:$0x750];
	v56 =	vsub.f32 v12, v13;
	[tilespmem:$0x840] =	vst v52  }
0x6d: {  	v59 =	vld [tilespmem:$0x560];
	v58 =	vsub.f32 v14, v15;
	[tilespmem:$0x850] =	vst v54  }
0x6e: {  	v61 =	vld [tilespmem:$0x760];
	v60 =	vsub.f32 v16, v17;
	[tilespmem:$0x860] =	vst v56  }
0x6f: {  	v63 =	vld [tilespmem:$0x570];
	v62 =	vsub.f32 v18, v19;
	[tilespmem:$0x870] =	vst v58  }
0x70: {  	v37 =	vld [tilespmem:$0x5A0];
	v20 =	vsub.f32 v20, v21;
	[tilespmem:$0x880] =	vst v60  }
0x71: {  	v39 =	vld [tilespmem:$0x7A0];
	v22 =	vsub.f32 v22, v23;
	[tilespmem:$0x890] =	vst v62  }
0x72: {  	v41 =	vld [tilespmem:$0x5B0];
	v24 =	vsub.f32 v24, v25;
	[tilespmem:$0x8A0] =	vst v20  }
0x73: {  	v43 =	vld [tilespmem:$0x7B0];
	v26 =	vsub.f32 v26, v27;
	[tilespmem:$0x8B0] =	vst v22  }
0x74: {  	v45 =	vld [tilespmem:$0x5C0];
	v28 =	vsub.f32 v28, v29;
	[tilespmem:$0x8C0] =	vst v24  }
0x75: {  	v21 =	vld [tilespmem:$0x770];
	v31 =	vsub.f32 v30, v31;
	[tilespmem:$0x8D0] =	vst v26  }
0x76: {  	v23 =	vld [tilespmem:$0x580];
	v38 =	vsub.f32 v32, v33;
	[tilespmem:$0x8E0] =	vst v28  }
0x77: {  	v25 =	vld [tilespmem:$0x780];
	v40 =	vsub.f32 v34, v35;
	[tilespmem:$0x8F0] =	vst v31  }
0x78: {  	v27 =	vld [tilespmem:$0x590];
	v42 =	vsub.f32 v36, v46;
	[tilespmem:$0x900] =	vst v38  }
0x79: {  	v29 =	vld [tilespmem:$0x790];
	v44 =	vsub.f32 v47, v49;
	[tilespmem:$0x910] =	vst v40  }
0x7a: {  	v46 =	vsub.f32 v51, v53;
	v47 =	vld [tilespmem:$0x7C0];
	[tilespmem:$0x920] =	vst v42  }
0x7b: {  	v49 =	vld [tilespmem:$0x5D0];
	v1 =	vsub.f32 v41, v43;
	[tilespmem:$0x930] =	vst v44  }
0x7c: {  	v51 =	vld [tilespmem:$0x7D0];
	v48 =	vsub.f32 v55, v57;
	[tilespmem:$0x940] =	vst v46  }
0x7d: {  	v53 =	vld [tilespmem:$0x5E0];
	v50 =	vsub.f32 v59, v61;
	[tilespmem:$0x9B0] =	vst v1  }
0x7e: {  	v55 =	vld [tilespmem:$0x7E0];
	v58 =	vsub.f32 v37, v39;
	[tilespmem:$0x950] =	vst v48  }
0x7f: {  	v57 =	vld [tilespmem:$0x5F0];
	[tilespmem:$0x960] =	vst v50;
	v52 =	vsub.f32 v63, v21  }
0x80: {  	v59 =	vld [tilespmem:$0x7F0];
	[tilespmem:$0x9A0] =	vst v58;
	v54 =	vsub.f32 v23, v25  }
0x81: {  	v56 =	vsub.f32 v27, v29;
	[tilespmem:$0x970] =	vst v52  }
0x82: {  	v60 =	vsub.f32 v45, v47;
	[tilespmem:$0x980] =	vst v54  }
0x83: {  	v61 =	vsub.f32 v49, v51;
	[tilespmem:$0x990] =	vst v56  }
0x84: {  	[tilespmem:$0x9C0] =	vst v60;
	v62 =	vsub.f32 v53, v55  }
0x85: {  	[tilespmem:$0x9D0] =	vst v61;
	v63 =	vsub.f32 v57, v59  }
0x86: {  	p0 =	sne.s32 s7, $0x1;
	[tilespmem:$0x9E0] =	vst v62  }
.Ltmp0:
0x87: {  	[tilespmem:$0x9F0] =	vst v63;
	(pc) =	sbr.rel @p0 .LBB2_1-.Ltmp0, $4  }
0x88: {  	[hbm4b:s6+s2] =	stream.linear.scatter [tilespmem:s24], [sflag:$0x2], $0x200, $0x38;
	[tilespmem:$0xA00] =	vst v63  }
0x89: {  	_ =	swait.ge [sflag:s25], $0x200  }
0x8a: {  	[sflag:s25] =	ssyncset.done $0x0  }
0x8b: {  	s7 =	sadd.s32 $0xFFFFFFFF, s7;
	[sflag:s25] =	ssyncadd.s32 $0xFFFFFE00  }
0x8c: {  	_ =	sfence.sel $0x180000  }
0x8d: {  	[bflag:$0x0] =	sbarrier.arrive $0xFFFF  }
0x8e: {  	p0 =	sne.s32 s1, $0x0;
	_ =	strace $0x90000047  }
0x8f: {  	s0 =	sadd.s32 @!p0 $0x100000, s0;
	[bflag:$0x2] =	sbarrier.arrive $0xFFFF  }
0x90: {  	[sflag:s0] =	ssyncadd.tile.s32 @!p0 $0x1;
	_ =	shalt  }
.Lfunc_end2:
_tile_overlayer_lowered:
.L_overlay_start_2:
0x91: {  	(tag) =	ssettag $0x2  }
0x92: {  	s0 =	rddreg [dreg:$0x0];
	s2 =	stileid.u32  }
0x93: {  	s1 =	rddreg [dreg:$0x1];
	p0 =	sne.s32 s2, $0x0  }
0x94: {  	s3 =	rddreg [dreg:$0x2];
	[bflag:$0x3] =	sbarrier.arrive $0xFFFF;
	s2 =	simm.s32 @!p0 $0x1C02  }
0x95: {  	[timem:s3], [sflag:s2] =	dma.local @!p0 [hbm:s0], s1  }
0x96: {  	s0 =	simm.s32 @!p0 $0x2  }
0x97: {  	_ =	swait.ge @!p0 [sflag:s0], s1  }
0x98: {  	s1 =	ssub.s32 @!p0 $0x0, s1;
	[sflag:s0] =	ssyncset.done @!p0 $0x0  }
0x99: {  	[sflag:s0] =	ssyncadd.s32 @!p0 s1  }
0x9a: {  	[bflag:$0x3] =	sbarrier.arrive $0xFFFF  }
0x9b: {  	_ =	shalt  }

</sc_bundles>
